<compile_context>
chip_gen: v7x
topology: tpu7x:2x2x1
jax: 0.10.2.dev20260603
libtpu: 0.0.44.dev20260713+nightly
codegen_flags: <defaults>
</compile_context>

<pallas_src>
import functools

import jax
import jax.numpy as jnp
from jax import lax
from jax.experimental import pallas as pl
from jax.experimental.pallas import tpu as pltpu
from jax.experimental.pallas import tpu_sc as plsc

LANES = 16
SC_CHUNKS = 16


def _sc_add_pe(x2d, lead_table, time_table, c0, n_sc_chunks):
  info = plsc.get_sparse_core_info()
  nw = info.num_cores * info.num_subcores
  n_leads, d = lead_table.shape
  n_frames = time_table.shape[0]
  fpw = n_frames // nw
  nvec = d // LANES

  mesh = plsc.VectorSubcoreMesh(core_axis_name="c", subcore_axis_name="s")

  @functools.partial(
      pl.kernel,
      mesh=mesh,
      out_type=jax.ShapeDtypeStruct((n_sc_chunks * n_frames, d), jnp.float32),
      scratch_types=[
          pltpu.VMEM((fpw, d), jnp.float32),
          pltpu.VMEM((fpw, d), jnp.float32),
          pltpu.VMEM((fpw, d), jnp.float32),
          pltpu.VMEM((fpw, d), jnp.float32),
          pltpu.VMEM((fpw, d), jnp.float32),
          pltpu.VMEM((n_leads, d), jnp.float32),
          pltpu.SemaphoreType.DMA,
          pltpu.SemaphoreType.DMA,
          pltpu.SemaphoreType.DMA,
          pltpu.SemaphoreType.DMA,
      ],
  )
  def k(x_hbm, lead_hbm, time_hbm, out_hbm,
        xb0, xb1, yb0, yb1, tv, lv, si0, si1, so0, so1):
    w = lax.axis_index("s") * info.num_cores + lax.axis_index("c")
    f0 = w * fpw

    pltpu.sync_copy(time_hbm.at[pl.ds(f0, fpw), :], tv)
    pltpu.sync_copy(lead_hbm, lv)

    def in_copy(c, buf, sem):
      return pltpu.make_async_copy(
          x_hbm.at[pl.ds((c0 + c) * n_frames + f0, fpw), :], buf, sem)

    def out_copy(c, buf, sem):
      return pltpu.make_async_copy(
          buf, out_hbm.at[pl.ds(c * n_frames + f0, fpw), :], sem)

    def compute(c, xb, yb):
      l = lax.rem(c0 + c, n_leads)

      def kbody(kk, _):
        off = kk * LANES
        lvec = lv[l, pl.ds(off, LANES)]

        def rbody(r, carry):
          yb[r, pl.ds(off, LANES)] = (
              xb[r, pl.ds(off, LANES)] + tv[r, pl.ds(off, LANES)] + lvec)
          return carry

        return lax.fori_loop(0, fpw, rbody, _, unroll=4)

      lax.fori_loop(0, nvec, kbody, 0)

    in_copy(0, xb0, si0).start()
    in_copy(1, xb1, si1).start()

    def step(i, carry):
      for phase, (xb, yb, si, so) in enumerate(
          ((xb0, yb0, si0, so0), (xb1, yb1, si1, so1))):
        c = 2 * i + phase
        in_copy(c, xb, si).wait()

        @pl.when(i >= 1)
        def _():
          out_copy(c - 2, yb, so).wait()

        compute(c, xb, yb)
        out_copy(c, yb, so).start()

        @pl.when(c + 2 < n_sc_chunks)
        def _():
          in_copy(c + 2, xb, si).start()
      return carry

    lax.fori_loop(0, n_sc_chunks // 2, step, 0)
    out_copy(n_sc_chunks - 2, yb0, so0).wait()
    out_copy(n_sc_chunks - 1, yb1, so1).wait()

  return k(x2d, lead_table, time_table)


def _tc_add_pe(x3d, lead_table, time_table, n_tc_chunks):
  n_chunks, n_frames, d = x3d.shape
  n_leads = lead_table.shape[0]
  cpb = 2

  def body(x_ref, lead_ref, time_ref, o_ref):
    for j in range(cpb):
      l = lax.rem(pl.program_id(0) * cpb + j, n_leads)
      o_ref[j] = x_ref[j] + time_ref[...] + lead_ref[pl.ds(l, 1), :]

  return pl.pallas_call(
      body,
      grid=(n_tc_chunks // cpb,),
      in_specs=[
          pl.BlockSpec((cpb, n_frames, d), lambda i: (i, 0, 0)),
          pl.BlockSpec((n_leads, d), lambda i: (0, 0)),
          pl.BlockSpec((n_frames, d), lambda i: (0, 0)),
      ],
      out_specs=pl.BlockSpec((cpb, n_frames, d), lambda i: (i, 0, 0)),
      out_shape=jax.ShapeDtypeStruct((n_chunks, n_frames, d), jnp.float32),
  )(x3d, lead_table, time_table)


def kernel(x, lead_table, time_table, n_leads, n_frames):
  del n_leads, n_frames
  batch, seq, d = x.shape
  nf = time_table.shape[0]
  x2d = x.reshape(batch * seq, d)
  n_chunks = x2d.shape[0] // nf
  c0 = n_chunks - SC_CHUNKS
  tc_out = _tc_add_pe(x2d.reshape(n_chunks, nf, d), lead_table, time_table, c0)
  sc_out = _sc_add_pe(x2d, lead_table, time_table, c0, SC_CHUNKS)
  out2d = lax.dynamic_update_slice(
      tc_out.reshape(batch * seq, d), sc_out, (c0 * nf, 0))
  return out2d.reshape(batch, seq, d)

# --- scband reference (transcript-rebuilt; emitter-appended) ---
"""Pipeline reference for scband-learnable-positional-encoding-63273458205052 (READ-ONLY COPY).

The authoritative reference and input builder live on the scoring server;
editing this copy changes nothing except your own understanding.
"""

import jax, jax.numpy as jnp
import numpy as np

N_LEADS = 12
MAX_FRAMES = 512
D_MODEL = 768
BATCH = 4
FRAMES_USED = 512

def setup_inputs(seed: int = 0) -> dict:
    key = jax.random.key(seed)
    k1, k2, k3 = jax.random.split(key, 3)
    x = jax.random.normal(k1, (BATCH, N_LEADS * FRAMES_USED, D_MODEL), dtype=jnp.float32)
    lead_table = jax.random.normal(k2, (N_LEADS, D_MODEL), dtype=jnp.float32) * 0.02
    time_table = jax.random.normal(k3, (MAX_FRAMES, D_MODEL), dtype=jnp.float32) * 0.02
    return {
        "x": x,
        "lead_table": lead_table,
        "time_table": time_table,
        "n_leads": N_LEADS,
        "n_frames": FRAMES_USED,
    }

def reference(x, lead_table, time_table, n_leads, n_frames):
    n_leads_static = lead_table.shape[0]
    n_frames_static = x.shape[1] // n_leads_static
    lead_delta = jnp.asarray(n_leads, dtype=jnp.int32) - n_leads_static
    frame_delta = jnp.asarray(n_frames, dtype=jnp.int32) - n_frames_static
    # leads: [0,0,...,0, 1,1,...,1, ...] each repeated n_frames times
    leads = jnp.repeat(jnp.arange(n_leads_static, dtype=jnp.int32), n_frames_static) + lead_delta
    # times: [0,1,...,n_frames-1] tiled n_leads times
    times = jnp.tile(jnp.arange(n_frames_static, dtype=jnp.int32), n_leads_static) + frame_delta
    lead_pe = jnp.take(lead_table, leads, axis=0)   # [n_leads*n_frames, d_model]
    time_pe = jnp.take(time_table, times, axis=0)   # [n_leads*n_frames, d_model]
    return x + lead_pe + time_pe

if __name__ == "__main__":
    import jax
    _d = setup_inputs()
    print(jax.jit(kernel)(*tuple(_d.values())))

</pallas_src>

<mosaic_0001>
#map = affine_map<(d0, d1) -> (0, 0)>
module attributes {stable_mosaic.version = 14 : i64} {
  func.func @k(%arg0: i32, %arg1: i32, %arg2: memref<24576x768xf32, #tpu.memory_space<hbm>>, %arg3: memref<12x768xf32, #tpu.memory_space<hbm>>, %arg4: memref<512x768xf32, #tpu.memory_space<hbm>>, %arg5: memref<8192x768xf32, #tpu.memory_space<hbm>>, %arg6: memref<16x768xf32, #tpu.memory_space<vmem>>, %arg7: memref<16x768xf32, #tpu.memory_space<vmem>>, %arg8: memref<16x768xf32, #tpu.memory_space<vmem>>, %arg9: memref<16x768xf32, #tpu.memory_space<vmem>>, %arg10: memref<16x768xf32, #tpu.memory_space<vmem>>, %arg11: memref<12x768xf32, #tpu.memory_space<vmem>>, %arg12: memref<!tpu.dma_semaphore, #tpu.memory_space<semaphore_mem>>, %arg13: memref<!tpu.dma_semaphore, #tpu.memory_space<semaphore_mem>>, %arg14: memref<!tpu.dma_semaphore, #tpu.memory_space<semaphore_mem>>, %arg15: memref<!tpu.dma_semaphore, #tpu.memory_space<semaphore_mem>>) attributes {dimension_semantics = [#tpu.dimension_semantics<core_parallel>, #tpu.dimension_semantics<subcore_parallel>], iteration_bounds = array<i64: 2, 16>, scalar_prefetch = 0 : i64, scratch_operands = 10 : i64, tpu.core_type = #tpu.core_type<sc_vector_subcore>, window_params = [{transform_indices = #map}, {transform_indices = #map}, {transform_indices = #map}, {transform_indices = #map}]} {
    %mul3A = arith.constant 2 : i32
    %mul3A_0 = arith.muli %arg1, %mul3A : i32
    %add3A = arith.addi %mul3A_0, %arg0 : i32
    %mul3A_1 = arith.constant 16 : i32
    %mul3A_2 = arith.muli %add3A, %mul3A_1 : i32
    "tpu.region"() ({
      %run_scoped3A = tpu.sem_alloc : memref<!tpu.dma_semaphore, #tpu.memory_space<semaphore_mem>>
      %dma_start3A_30 = arith.constant 0 : i32
      %dma_start3A_31 = tpu.memref_slice %arg4[%mul3A_2, %dma_start3A_30] : memref<512x768xf32, #tpu.memory_space<hbm>> -> memref<16x768xf32, #tpu.memory_space<hbm>>
      %dma_start3A_32 = arith.constant 0 : i32
      %dma_start3A_33 = tpu.memref_slice %arg4[%mul3A_2, %dma_start3A_32] : memref<512x768xf32, #tpu.memory_space<hbm>> -> memref<16x768xf32, #tpu.memory_space<hbm>>
      tpu.enqueue_dma source(%dma_start3A_33 : memref<16x768xf32, #tpu.memory_space<hbm>>) target(%arg10 : memref<16x768xf32, #tpu.memory_space<vmem>>) target_semaphore(%run_scoped3A : memref<!tpu.dma_semaphore, #tpu.memory_space<semaphore_mem>>)
      %dma_wait3A_34 = arith.constant 0 : i32
      %dma_wait3A_35 = tpu.memref_slice %arg4[%mul3A_2, %dma_wait3A_34] : memref<512x768xf32, #tpu.memory_space<hbm>> -> memref<16x768xf32, #tpu.memory_space<hbm>>
      %dma_wait3A_36 = arith.constant 0 : i32
      %dma_wait3A_37 = tpu.memref_slice %arg4[%mul3A_2, %dma_wait3A_36] : memref<512x768xf32, #tpu.memory_space<hbm>> -> memref<16x768xf32, #tpu.memory_space<hbm>>
      tpu.wait_dma2 semaphore(%run_scoped3A : memref<!tpu.dma_semaphore, #tpu.memory_space<semaphore_mem>>) src(%dma_wait3A_37 : memref<16x768xf32, #tpu.memory_space<hbm>>) dst(%arg10 : memref<16x768xf32, #tpu.memory_space<vmem>>)
      tpu.yield
    }) : () -> ()
    "tpu.region"() ({
      %run_scoped3A = tpu.sem_alloc : memref<!tpu.dma_semaphore, #tpu.memory_space<semaphore_mem>>
      tpu.enqueue_dma source(%arg3 : memref<12x768xf32, #tpu.memory_space<hbm>>) target(%arg11 : memref<12x768xf32, #tpu.memory_space<vmem>>) target_semaphore(%run_scoped3A : memref<!tpu.dma_semaphore, #tpu.memory_space<semaphore_mem>>)
      tpu.wait_dma2 semaphore(%run_scoped3A : memref<!tpu.dma_semaphore, #tpu.memory_space<semaphore_mem>>) src(%arg3 : memref<12x768xf32, #tpu.memory_space<hbm>>) dst(%arg11 : memref<12x768xf32, #tpu.memory_space<vmem>>)
      tpu.yield
    }) : () -> ()
    %add3A_3 = arith.constant 16384 : i32
    %add3A_4 = arith.addi %add3A_3, %mul3A_2 : i32
    %dma_start3A = arith.constant 0 : i32
    %dma_start3A_5 = tpu.memref_slice %arg2[%add3A_4, %dma_start3A] : memref<24576x768xf32, #tpu.memory_space<hbm>> -> memref<16x768xf32, #tpu.memory_space<hbm>>
    %dma_start3A_6 = arith.constant 0 : i32
    %dma_start3A_7 = tpu.memref_slice %arg2[%add3A_4, %dma_start3A_6] : memref<24576x768xf32, #tpu.memory_space<hbm>> -> memref<16x768xf32, #tpu.memory_space<hbm>>
    tpu.enqueue_dma source(%dma_start3A_7 : memref<16x768xf32, #tpu.memory_space<hbm>>) target(%arg6 : memref<16x768xf32, #tpu.memory_space<vmem>>) target_semaphore(%arg12 : memref<!tpu.dma_semaphore, #tpu.memory_space<semaphore_mem>>)
    %add3A_8 = arith.constant 16896 : i32
    %add3A_9 = arith.addi %add3A_8, %mul3A_2 : i32
    %dma_start3A_10 = arith.constant 0 : i32
    %dma_start3A_11 = tpu.memref_slice %arg2[%add3A_9, %dma_start3A_10] : memref<24576x768xf32, #tpu.memory_space<hbm>> -> memref<16x768xf32, #tpu.memory_space<hbm>>
    %dma_start3A_12 = arith.constant 0 : i32
    %dma_start3A_13 = tpu.memref_slice %arg2[%add3A_9, %dma_start3A_12] : memref<24576x768xf32, #tpu.memory_space<hbm>> -> memref<16x768xf32, #tpu.memory_space<hbm>>
    tpu.enqueue_dma source(%dma_start3A_13 : memref<16x768xf32, #tpu.memory_space<hbm>>) target(%arg7 : memref<16x768xf32, #tpu.memory_space<vmem>>) target_semaphore(%arg13 : memref<!tpu.dma_semaphore, #tpu.memory_space<semaphore_mem>>)
    %scan3A = arith.constant 0 : i32
    %scan3A_14 = arith.constant 0 : i32
    %scan3A_15 = arith.constant 8 : i32
    %scan3A_16 = arith.addi %scan3A_14, %scan3A_15 : i32
    %scan3A_17 = arith.constant 1 : i32
    scf.for %scan3A_30 = %scan3A_14 to %scan3A_16 step %scan3A_17  : i32 {
      %mul3A_31 = arith.constant 2 : i32
      %mul3A_32 = arith.muli %mul3A_31, %scan3A_30 : i32
      %add3A_33 = arith.constant 0 : i32
      %add3A_34 = arith.addi %mul3A_32, %add3A_33 : i32
      %add3A_35 = arith.constant 32 : i32
      %add3A_36 = arith.addi %add3A_35, %add3A_34 : i32
      %mul3A_37 = arith.constant 512 : i32
      %mul3A_38 = arith.muli %add3A_36, %mul3A_37 : i32
      %add3A_39 = arith.addi %mul3A_38, %mul3A_2 : i32
      %dma_wait3A_40 = arith.constant 0 : i32
      %dma_wait3A_41 = tpu.memref_slice %arg2[%add3A_39, %dma_wait3A_40] : memref<24576x768xf32, #tpu.memory_space<hbm>> -> memref<16x768xf32, #tpu.memory_space<hbm>>
      %dma_wait3A_42 = arith.constant 0 : i32
      %dma_wait3A_43 = tpu.memref_slice %arg2[%add3A_39, %dma_wait3A_42] : memref<24576x768xf32, #tpu.memory_space<hbm>> -> memref<16x768xf32, #tpu.memory_space<hbm>>
      tpu.wait_dma2 semaphore(%arg12 : memref<!tpu.dma_semaphore, #tpu.memory_space<semaphore_mem>>) src(%dma_wait3A_43 : memref<16x768xf32, #tpu.memory_space<hbm>>) dst(%arg6 : memref<16x768xf32, #tpu.memory_space<vmem>>)
      %ge3A = arith.constant 1 : i32
      %ge3A_44 = arith.cmpi sge, %scan3A_30, %ge3A : i32
      %convert_element_type3A = arith.extui %ge3A_44 : i1 to i32
      %cond3A = arith.constant 0 : i32
      %cond3A_45 = arith.cmpi ne, %convert_element_type3A, %cond3A : i32
      scf.if %cond3A_45 {
        %sub3A = arith.constant 2 : i32
        %sub3A_110 = arith.subi %add3A_34, %sub3A : i32
        %mul3A_111 = arith.constant 512 : i32
        %mul3A_112 = arith.muli %sub3A_110, %mul3A_111 : i32
        %add3A_113 = arith.addi %mul3A_112, %mul3A_2 : i32
        %dma_wait3A_114 = arith.constant 0 : i32
        %dma_wait3A_115 = tpu.memref_slice %arg5[%add3A_113, %dma_wait3A_114] : memref<8192x768xf32, #tpu.memory_space<hbm>> -> memref<16x768xf32, #tpu.memory_space<hbm>>
        %dma_wait3A_116 = arith.constant 0 : i32
        %dma_wait3A_117 = tpu.memref_slice %arg5[%add3A_113, %dma_wait3A_116] : memref<8192x768xf32, #tpu.memory_space<hbm>> -> memref<16x768xf32, #tpu.memory_space<hbm>>
        tpu.wait_dma2 semaphore(%arg14 : memref<!tpu.dma_semaphore, #tpu.memory_space<semaphore_mem>>) src(%arg8 : memref<16x768xf32, #tpu.memory_space<vmem>>) dst(%dma_wait3A_117 : memref<16x768xf32, #tpu.memory_space<hbm>>)
      } else {
      }
      %add3A_46 = arith.constant 32 : i32
      %add3A_47 = arith.addi %add3A_46, %add3A_34 : i32
      %rem3A = arith.constant 12 : i32
      %rem3A_48 = arith.remsi %add3A_47, %rem3A : i32
      %scan3A_49 = arith.constant 0 : i32
      %scan3A_50 = arith.constant 0 : i32
      %scan3A_51 = arith.constant 48 : i32
      %scan3A_52 = arith.addi %scan3A_50, %scan3A_51 : i32
      %scan3A_53 = arith.constant 1 : i32
      scf.for %scan3A_110 = %scan3A_50 to %scan3A_52 step %scan3A_53  : i32 {
        %mul3A_111 = arith.constant 16 : i32
        %mul3A_112 = arith.muli %scan3A_110, %mul3A_111 : i32
        %get3A = arith.index_cast %rem3A_48 : i32 to index
        %get3A_113 = arith.index_cast %mul3A_112 : i32 to index
        %get3A_114 = tpu.vector_load %arg11[%get3A, %get3A_113] {strides = array<i32>} : memref<12x768xf32, #tpu.memory_space<vmem>>, vector<1x16xf32>,
        %get3A_115 = vector.shape_cast %get3A_114 : vector<1x16xf32> to vector<16xf32>
        %scan3A_116 = arith.constant 0 : i32
        %scan3A_117 = arith.constant 16 : i32
        %scan3A_118 = arith.addi %scan3A_116, %scan3A_117 : i32
        %scan3A_119 = arith.constant 4 : i32
        scf.for %scan3A_121 = %scan3A_116 to %scan3A_118 step %scan3A_119  : i32 {
          %get3A_122 = arith.index_cast %scan3A_121 : i32 to index
          %get3A_123 = arith.index_cast %mul3A_112 : i32 to index
          %get3A_124 = tpu.vector_load %arg6[%get3A_122, %get3A_123] {strides = array<i32>} : memref<16x768xf32, #tpu.memory_space<vmem>>, vector<1x16xf32>,
          %get3A_125 = vector.shape_cast %get3A_124 : vector<1x16xf32> to vector<16xf32>
          %get3A_126 = arith.index_cast %scan3A_121 : i32 to index
          %get3A_127 = arith.index_cast %mul3A_112 : i32 to index
          %get3A_128 = tpu.vector_load %arg10[%get3A_126, %get3A_127] {strides = array<i32>} : memref<16x768xf32, #tpu.memory_space<vmem>>, vector<1x16xf32>,
          %get3A_129 = vector.shape_cast %get3A_128 : vector<1x16xf32> to vector<16xf32>
          %add3A_130 = arith.addf %get3A_125, %get3A_129 : vector<16xf32>
          %add3A_131 = arith.addf %add3A_130, %get3A_115 : vector<16xf32>
          %swap3A = arith.index_cast %scan3A_121 : i32 to index
          %swap3A_132 = arith.index_cast %mul3A_112 : i32 to index
          %swap3A_133 = tpu.vector_load %arg8[%swap3A, %swap3A_132] {strides = array<i32>} : memref<16x768xf32, #tpu.memory_space<vmem>>, vector<1x16xf32>,
          %swap3A_134 = vector.shape_cast %swap3A_133 : vector<1x16xf32> to vector<16xf32>
          %swap3A_135 = vector.shape_cast %add3A_131 : vector<16xf32> to vector<1x16xf32>
          tpu.vector_store %arg8[%swap3A, %swap3A_132], %swap3A_135 {strides = array<i32>} : memref<16x768xf32, #tpu.memory_space<vmem>>, vector<1x16xf32>,
          %scan3A_136 = arith.constant 1 : i32
          %scan3A_137 = arith.addi %scan3A_121, %scan3A_136 : i32
          %get3A_138 = arith.index_cast %scan3A_137 : i32 to index
          %get3A_139 = arith.index_cast %mul3A_112 : i32 to index
          %get3A_140 = tpu.vector_load %arg6[%get3A_138, %get3A_139] {strides = array<i32>} : memref<16x768xf32, #tpu.memory_space<vmem>>, vector<1x16xf32>,
          %get3A_141 = vector.shape_cast %get3A_140 : vector<1x16xf32> to vector<16xf32>
          %get3A_142 = arith.index_cast %scan3A_137 : i32 to index
          %get3A_143 = arith.index_cast %mul3A_112 : i32 to index
          %get3A_144 = tpu.vector_load %arg10[%get3A_142, %get3A_143] {strides = array<i32>} : memref<16x768xf32, #tpu.memory_space<vmem>>, vector<1x16xf32>,
          %get3A_145 = vector.shape_cast %get3A_144 : vector<1x16xf32> to vector<16xf32>
          %add3A_146 = arith.addf %get3A_141, %get3A_145 : vector<16xf32>
          %add3A_147 = arith.addf %add3A_146, %get3A_115 : vector<16xf32>
          %swap3A_148 = arith.index_cast %scan3A_137 : i32 to index
          %swap3A_149 = arith.index_cast %mul3A_112 : i32 to index
          %swap3A_150 = tpu.vector_load %arg8[%swap3A_148, %swap3A_149] {strides = array<i32>} : memref<16x768xf32, #tpu.memory_space<vmem>>, vector<1x16xf32>,
          %swap3A_151 = vector.shape_cast %swap3A_150 : vector<1x16xf32> to vector<16xf32>
          %swap3A_152 = vector.shape_cast %add3A_147 : vector<16xf32> to vector<1x16xf32>
          tpu.vector_store %arg8[%swap3A_148, %swap3A_149], %swap3A_152 {strides = array<i32>} : memref<16x768xf32, #tpu.memory_space<vmem>>, vector<1x16xf32>,
          %scan3A_153 = arith.constant 2 : i32
          %scan3A_154 = arith.addi %scan3A_121, %scan3A_153 : i32
          %get3A_155 = arith.index_cast %scan3A_154 : i32 to index
          %get3A_156 = arith.index_cast %mul3A_112 : i32 to index
          %get3A_157 = tpu.vector_load %arg6[%get3A_155, %get3A_156] {strides = array<i32>} : memref<16x768xf32, #tpu.memory_space<vmem>>, vector<1x16xf32>,
          %get3A_158 = vector.shape_cast %get3A_157 : vector<1x16xf32> to vector<16xf32>
          %get3A_159 = arith.index_cast %scan3A_154 : i32 to index
          %get3A_160 = arith.index_cast %mul3A_112 : i32 to index
          %get3A_161 = tpu.vector_load %arg10[%get3A_159, %get3A_160] {strides = array<i32>} : memref<16x768xf32, #tpu.memory_space<vmem>>, vector<1x16xf32>,
          %get3A_162 = vector.shape_cast %get3A_161 : vector<1x16xf32> to vector<16xf32>
          %add3A_163 = arith.addf %get3A_158, %get3A_162 : vector<16xf32>
          %add3A_164 = arith.addf %add3A_163, %get3A_115 : vector<16xf32>
          %swap3A_165 = arith.index_cast %scan3A_154 : i32 to index
          %swap3A_166 = arith.index_cast %mul3A_112 : i32 to index
          %swap3A_167 = tpu.vector_load %arg8[%swap3A_165, %swap3A_166] {strides = array<i32>} : memref<16x768xf32, #tpu.memory_space<vmem>>, vector<1x16xf32>,
          %swap3A_168 = vector.shape_cast %swap3A_167 : vector<1x16xf32> to vector<16xf32>
          %swap3A_169 = vector.shape_cast %add3A_164 : vector<16xf32> to vector<1x16xf32>
          tpu.vector_store %arg8[%swap3A_165, %swap3A_166], %swap3A_169 {strides = array<i32>} : memref<16x768xf32, #tpu.memory_space<vmem>>, vector<1x16xf32>,
          %scan3A_170 = arith.constant 3 : i32
          %scan3A_171 = arith.addi %scan3A_121, %scan3A_170 : i32
          %get3A_172 = arith.index_cast %scan3A_171 : i32 to index
          %get3A_173 = arith.index_cast %mul3A_112 : i32 to index
          %get3A_174 = tpu.vector_load %arg6[%get3A_172, %get3A_173] {strides = array<i32>} : memref<16x768xf32, #tpu.memory_space<vmem>>, vector<1x16xf32>,
          %get3A_175 = vector.shape_cast %get3A_174 : vector<1x16xf32> to vector<16xf32>
          %get3A_176 = arith.index_cast %scan3A_171 : i32 to index
          %get3A_177 = arith.index_cast %mul3A_112 : i32 to index
          %get3A_178 = tpu.vector_load %arg10[%get3A_176, %get3A_177] {strides = array<i32>} : memref<16x768xf32, #tpu.memory_space<vmem>>, vector<1x16xf32>,
          %get3A_179 = vector.shape_cast %get3A_178 : vector<1x16xf32> to vector<16xf32>
          %add3A_180 = arith.addf %get3A_175, %get3A_179 : vector<16xf32>
          %add3A_181 = arith.addf %add3A_180, %get3A_115 : vector<16xf32>
          %swap3A_182 = arith.index_cast %scan3A_171 : i32 to index
          %swap3A_183 = arith.index_cast %mul3A_112 : i32 to index
          %swap3A_184 = tpu.vector_load %arg8[%swap3A_182, %swap3A_183] {strides = array<i32>} : memref<16x768xf32, #tpu.memory_space<vmem>>, vector<1x16xf32>,
          %swap3A_185 = vector.shape_cast %swap3A_184 : vector<1x16xf32> to vector<16xf32>
          %swap3A_186 = vector.shape_cast %add3A_181 : vector<16xf32> to vector<1x16xf32>
          tpu.vector_store %arg8[%swap3A_182, %swap3A_183], %swap3A_186 {strides = array<i32>} : memref<16x768xf32, #tpu.memory_space<vmem>>, vector<1x16xf32>,
        }
        %scan3A_120 = arith.constant 16 : i32
      }
      %scan3A_54 = arith.constant 48 : i32
      %mul3A_55 = arith.constant 512 : i32
      %mul3A_56 = arith.muli %add3A_34, %mul3A_55 : i32
      %add3A_57 = arith.addi %mul3A_56, %mul3A_2 : i32
      %dma_start3A_58 = arith.constant 0 : i32
      %dma_start3A_59 = tpu.memref_slice %arg5[%add3A_57, %dma_start3A_58] : memref<8192x768xf32, #tpu.memory_space<hbm>> -> memref<16x768xf32, #tpu.memory_space<hbm>>
      %dma_start3A_60 = arith.constant 0 : i32
      %dma_start3A_61 = tpu.memref_slice %arg5[%add3A_57, %dma_start3A_60] : memref<8192x768xf32, #tpu.memory_space<hbm>> -> memref<16x768xf32, #tpu.memory_space<hbm>>
      tpu.enqueue_dma source(%arg8 : memref<16x768xf32, #tpu.memory_space<vmem>>) target(%dma_start3A_61 : memref<16x768xf32, #tpu.memory_space<hbm>>) target_semaphore(%arg14 : memref<!tpu.dma_semaphore, #tpu.memory_space<semaphore_mem>>)
      %add3A_62 = arith.constant 2 : i32
      %add3A_63 = arith.addi %add3A_34, %add3A_62 : i32
      %lt3A = arith.constant 16 : i32
      %lt3A_64 = arith.cmpi slt, %add3A_63, %lt3A : i32
      %convert_element_type3A_65 = arith.extui %lt3A_64 : i1 to i32
      %cond3A_66 = arith.constant 0 : i32
      %cond3A_67 = arith.cmpi ne, %convert_element_type3A_65, %cond3A_66 : i32
      scf.if %cond3A_67 {
        %add3A_110 = arith.constant 2 : i32
        %add3A_111 = arith.addi %add3A_34, %add3A_110 : i32
        %add3A_112 = arith.constant 32 : i32
        %add3A_113 = arith.addi %add3A_112, %add3A_111 : i32
        %mul3A_114 = arith.constant 512 : i32
        %mul3A_115 = arith.muli %add3A_113, %mul3A_114 : i32
        %add3A_116 = arith.addi %mul3A_115, %mul3A_2 : i32
        %dma_start3A_117 = arith.constant 0 : i32
        %dma_start3A_118 = tpu.memref_slice %arg2[%add3A_116, %dma_start3A_117] : memref<24576x768xf32, #tpu.memory_space<hbm>> -> memref<16x768xf32, #tpu.memory_space<hbm>>
        %dma_start3A_119 = arith.constant 0 : i32
        %dma_start3A_120 = tpu.memref_slice %arg2[%add3A_116, %dma_start3A_119] : memref<24576x768xf32, #tpu.memory_space<hbm>> -> memref<16x768xf32, #tpu.memory_space<hbm>>
        tpu.enqueue_dma source(%dma_start3A_120 : memref<16x768xf32, #tpu.memory_space<hbm>>) target(%arg6 : memref<16x768xf32, #tpu.memory_space<vmem>>) target_semaphore(%arg12 : memref<!tpu.dma_semaphore, #tpu.memory_space<semaphore_mem>>)
      } else {
      }
      %mul3A_68 = arith.constant 2 : i32
      %mul3A_69 = arith.muli %mul3A_68, %scan3A_30 : i32
      %add3A_70 = arith.constant 1 : i32
      %add3A_71 = arith.addi %mul3A_69, %add3A_70 : i32
      %add3A_72 = arith.constant 32 : i32
      %add3A_73 = arith.addi %add3A_72, %add3A_71 : i32
      %mul3A_74 = arith.constant 512 : i32
      %mul3A_75 = arith.muli %add3A_73, %mul3A_74 : i32
      %add3A_76 = arith.addi %mul3A_75, %mul3A_2 : i32
      %dma_wait3A_77 = arith.constant 0 : i32
      %dma_wait3A_78 = tpu.memref_slice %arg2[%add3A_76, %dma_wait3A_77] : memref<24576x768xf32, #tpu.memory_space<hbm>> -> memref<16x768xf32, #tpu.memory_space<hbm>>
      %dma_wait3A_79 = arith.constant 0 : i32
      %dma_wait3A_80 = tpu.memref_slice %arg2[%add3A_76, %dma_wait3A_79] : memref<24576x768xf32, #tpu.memory_space<hbm>> -> memref<16x768xf32, #tpu.memory_space<hbm>>
      tpu.wait_dma2 semaphore(%arg13 : memref<!tpu.dma_semaphore, #tpu.memory_space<semaphore_mem>>) src(%dma_wait3A_80 : memref<16x768xf32, #tpu.memory_space<hbm>>) dst(%arg7 : memref<16x768xf32, #tpu.memory_space<vmem>>)
      %ge3A_81 = arith.constant 1 : i32
      %ge3A_82 = arith.cmpi sge, %scan3A_30, %ge3A_81 : i32
      %convert_element_type3A_83 = arith.extui %ge3A_82 : i1 to i32
      %cond3A_84 = arith.constant 0 : i32
      %cond3A_85 = arith.cmpi ne, %convert_element_type3A_83, %cond3A_84 : i32
      scf.if %cond3A_85 {
        %sub3A = arith.constant 2 : i32
        %sub3A_110 = arith.subi %add3A_71, %sub3A : i32
        %mul3A_111 = arith.constant 512 : i32
        %mul3A_112 = arith.muli %sub3A_110, %mul3A_111 : i32
        %add3A_113 = arith.addi %mul3A_112, %mul3A_2 : i32
        %dma_wait3A_114 = arith.constant 0 : i32
        %dma_wait3A_115 = tpu.memref_slice %arg5[%add3A_113, %dma_wait3A_114] : memref<8192x768xf32, #tpu.memory_space<hbm>> -> memref<16x768xf32, #tpu.memory_space<hbm>>
        %dma_wait3A_116 = arith.constant 0 : i32
        %dma_wait3A_117 = tpu.memref_slice %arg5[%add3A_113, %dma_wait3A_116] : memref<8192x768xf32, #tpu.memory_space<hbm>> -> memref<16x768xf32, #tpu.memory_space<hbm>>
        tpu.wait_dma2 semaphore(%arg15 : memref<!tpu.dma_semaphore, #tpu.memory_space<semaphore_mem>>) src(%arg9 : memref<16x768xf32, #tpu.memory_space<vmem>>) dst(%dma_wait3A_117 : memref<16x768xf32, #tpu.memory_space<hbm>>)
      } else {
      }
      %add3A_86 = arith.constant 32 : i32
      %add3A_87 = arith.addi %add3A_86, %add3A_71 : i32
      %rem3A_88 = arith.constant 12 : i32
      %rem3A_89 = arith.remsi %add3A_87, %rem3A_88 : i32
      %scan3A_90 = arith.constant 0 : i32
      %scan3A_91 = arith.constant 0 : i32
      %scan3A_92 = arith.constant 48 : i32
      %scan3A_93 = arith.addi %scan3A_91, %scan3A_92 : i32
      %scan3A_94 = arith.constant 1 : i32
      scf.for %scan3A_110 = %scan3A_91 to %scan3A_93 step %scan3A_94  : i32 {
        %mul3A_111 = arith.constant 16 : i32
        %mul3A_112 = arith.muli %scan3A_110, %mul3A_111 : i32
        %get3A = arith.index_cast %rem3A_89 : i32 to index
        %get3A_113 = arith.index_cast %mul3A_112 : i32 to index
        %get3A_114 = tpu.vector_load %arg11[%get3A, %get3A_113] {strides = array<i32>} : memref<12x768xf32, #tpu.memory_space<vmem>>, vector<1x16xf32>,
        %get3A_115 = vector.shape_cast %get3A_114 : vector<1x16xf32> to vector<16xf32>
        %scan3A_116 = arith.constant 0 : i32
        %scan3A_117 = arith.constant 16 : i32
        %scan3A_118 = arith.addi %scan3A_116, %scan3A_117 : i32
        %scan3A_119 = arith.constant 4 : i32
        scf.for %scan3A_121 = %scan3A_116 to %scan3A_118 step %scan3A_119  : i32 {
          %get3A_122 = arith.index_cast %scan3A_121 : i32 to index
          %get3A_123 = arith.index_cast %mul3A_112 : i32 to index
          %get3A_124 = tpu.vector_load %arg7[%get3A_122, %get3A_123] {strides = array<i32>} : memref<16x768xf32, #tpu.memory_space<vmem>>, vector<1x16xf32>,
          %get3A_125 = vector.shape_cast %get3A_124 : vector<1x16xf32> to vector<16xf32>
          %get3A_126 = arith.index_cast %scan3A_121 : i32 to index
          %get3A_127 = arith.index_cast %mul3A_112 : i32 to index
          %get3A_128 = tpu.vector_load %arg10[%get3A_126, %get3A_127] {strides = array<i32>} : memref<16x768xf32, #tpu.memory_space<vmem>>, vector<1x16xf32>,
          %get3A_129 = vector.shape_cast %get3A_128 : vector<1x16xf32> to vector<16xf32>
          %add3A_130 = arith.addf %get3A_125, %get3A_129 : vector<16xf32>
          %add3A_131 = arith.addf %add3A_130, %get3A_115 : vector<16xf32>
          %swap3A = arith.index_cast %scan3A_121 : i32 to index
          %swap3A_132 = arith.index_cast %mul3A_112 : i32 to index
          %swap3A_133 = tpu.vector_load %arg9[%swap3A, %swap3A_132] {strides = array<i32>} : memref<16x768xf32, #tpu.memory_space<vmem>>, vector<1x16xf32>,
          %swap3A_134 = vector.shape_cast %swap3A_133 : vector<1x16xf32> to vector<16xf32>
          %swap3A_135 = vector.shape_cast %add3A_131 : vector<16xf32> to vector<1x16xf32>
          tpu.vector_store %arg9[%swap3A, %swap3A_132], %swap3A_135 {strides = array<i32>} : memref<16x768xf32, #tpu.memory_space<vmem>>, vector<1x16xf32>,
          %scan3A_136 = arith.constant 1 : i32
          %scan3A_137 = arith.addi %scan3A_121, %scan3A_136 : i32
          %get3A_138 = arith.index_cast %scan3A_137 : i32 to index
          %get3A_139 = arith.index_cast %mul3A_112 : i32 to index
          %get3A_140 = tpu.vector_load %arg7[%get3A_138, %get3A_139] {strides = array<i32>} : memref<16x768xf32, #tpu.memory_space<vmem>>, vector<1x16xf32>,
          %get3A_141 = vector.shape_cast %get3A_140 : vector<1x16xf32> to vector<16xf32>
          %get3A_142 = arith.index_cast %scan3A_137 : i32 to index
          %get3A_143 = arith.index_cast %mul3A_112 : i32 to index
          %get3A_144 = tpu.vector_load %arg10[%get3A_142, %get3A_143] {strides = array<i32>} : memref<16x768xf32, #tpu.memory_space<vmem>>, vector<1x16xf32>,
          %get3A_145 = vector.shape_cast %get3A_144 : vector<1x16xf32> to vector<16xf32>
          %add3A_146 = arith.addf %get3A_141, %get3A_145 : vector<16xf32>
          %add3A_147 = arith.addf %add3A_146, %get3A_115 : vector<16xf32>
          %swap3A_148 = arith.index_cast %scan3A_137 : i32 to index
          %swap3A_149 = arith.index_cast %mul3A_112 : i32 to index
          %swap3A_150 = tpu.vector_load %arg9[%swap3A_148, %swap3A_149] {strides = array<i32>} : memref<16x768xf32, #tpu.memory_space<vmem>>, vector<1x16xf32>,
          %swap3A_151 = vector.shape_cast %swap3A_150 : vector<1x16xf32> to vector<16xf32>
          %swap3A_152 = vector.shape_cast %add3A_147 : vector<16xf32> to vector<1x16xf32>
          tpu.vector_store %arg9[%swap3A_148, %swap3A_149], %swap3A_152 {strides = array<i32>} : memref<16x768xf32, #tpu.memory_space<vmem>>, vector<1x16xf32>,
          %scan3A_153 = arith.constant 2 : i32
          %scan3A_154 = arith.addi %scan3A_121, %scan3A_153 : i32
          %get3A_155 = arith.index_cast %scan3A_154 : i32 to index
          %get3A_156 = arith.index_cast %mul3A_112 : i32 to index
          %get3A_157 = tpu.vector_load %arg7[%get3A_155, %get3A_156] {strides = array<i32>} : memref<16x768xf32, #tpu.memory_space<vmem>>, vector<1x16xf32>,
          %get3A_158 = vector.shape_cast %get3A_157 : vector<1x16xf32> to vector<16xf32>
          %get3A_159 = arith.index_cast %scan3A_154 : i32 to index
          %get3A_160 = arith.index_cast %mul3A_112 : i32 to index
          %get3A_161 = tpu.vector_load %arg10[%get3A_159, %get3A_160] {strides = array<i32>} : memref<16x768xf32, #tpu.memory_space<vmem>>, vector<1x16xf32>,
          %get3A_162 = vector.shape_cast %get3A_161 : vector<1x16xf32> to vector<16xf32>
          %add3A_163 = arith.addf %get3A_158, %get3A_162 : vector<16xf32>
          %add3A_164 = arith.addf %add3A_163, %get3A_115 : vector<16xf32>
          %swap3A_165 = arith.index_cast %scan3A_154 : i32 to index
          %swap3A_166 = arith.index_cast %mul3A_112 : i32 to index
          %swap3A_167 = tpu.vector_load %arg9[%swap3A_165, %swap3A_166] {strides = array<i32>} : memref<16x768xf32, #tpu.memory_space<vmem>>, vector<1x16xf32>,
          %swap3A_168 = vector.shape_cast %swap3A_167 : vector<1x16xf32> to vector<16xf32>
          %swap3A_169 = vector.shape_cast %add3A_164 : vector<16xf32> to vector<1x16xf32>
          tpu.vector_store %arg9[%swap3A_165, %swap3A_166], %swap3A_169 {strides = array<i32>} : memref<16x768xf32, #tpu.memory_space<vmem>>, vector<1x16xf32>,
          %scan3A_170 = arith.constant 3 : i32
          %scan3A_171 = arith.addi %scan3A_121, %scan3A_170 : i32
          %get3A_172 = arith.index_cast %scan3A_171 : i32 to index
          %get3A_173 = arith.index_cast %mul3A_112 : i32 to index
          %get3A_174 = tpu.vector_load %arg7[%get3A_172, %get3A_173] {strides = array<i32>} : memref<16x768xf32, #tpu.memory_space<vmem>>, vector<1x16xf32>,
          %get3A_175 = vector.shape_cast %get3A_174 : vector<1x16xf32> to vector<16xf32>
          %get3A_176 = arith.index_cast %scan3A_171 : i32 to index
          %get3A_177 = arith.index_cast %mul3A_112 : i32 to index
          %get3A_178 = tpu.vector_load %arg10[%get3A_176, %get3A_177] {strides = array<i32>} : memref<16x768xf32, #tpu.memory_space<vmem>>, vector<1x16xf32>,
          %get3A_179 = vector.shape_cast %get3A_178 : vector<1x16xf32> to vector<16xf32>
          %add3A_180 = arith.addf %get3A_175, %get3A_179 : vector<16xf32>
          %add3A_181 = arith.addf %add3A_180, %get3A_115 : vector<16xf32>
          %swap3A_182 = arith.index_cast %scan3A_171 : i32 to index
          %swap3A_183 = arith.index_cast %mul3A_112 : i32 to index
          %swap3A_184 = tpu.vector_load %arg9[%swap3A_182, %swap3A_183] {strides = array<i32>} : memref<16x768xf32, #tpu.memory_space<vmem>>, vector<1x16xf32>,
          %swap3A_185 = vector.shape_cast %swap3A_184 : vector<1x16xf32> to vector<16xf32>
          %swap3A_186 = vector.shape_cast %add3A_181 : vector<16xf32> to vector<1x16xf32>
          tpu.vector_store %arg9[%swap3A_182, %swap3A_183], %swap3A_186 {strides = array<i32>} : memref<16x768xf32, #tpu.memory_space<vmem>>, vector<1x16xf32>,
        }
        %scan3A_120 = arith.constant 16 : i32
      }
      %scan3A_95 = arith.constant 48 : i32
      %mul3A_96 = arith.constant 512 : i32
      %mul3A_97 = arith.muli %add3A_71, %mul3A_96 : i32
      %add3A_98 = arith.addi %mul3A_97, %mul3A_2 : i32
      %dma_start3A_99 = arith.constant 0 : i32
      %dma_start3A_100 = tpu.memref_slice %arg5[%add3A_98, %dma_start3A_99] : memref<8192x768xf32, #tpu.memory_space<hbm>> -> memref<16x768xf32, #tpu.memory_space<hbm>>
      %dma_start3A_101 = arith.constant 0 : i32
      %dma_start3A_102 = tpu.memref_slice %arg5[%add3A_98, %dma_start3A_101] : memref<8192x768xf32, #tpu.memory_space<hbm>> -> memref<16x768xf32, #tpu.memory_space<hbm>>
      tpu.enqueue_dma source(%arg9 : memref<16x768xf32, #tpu.memory_space<vmem>>) target(%dma_start3A_102 : memref<16x768xf32, #tpu.memory_space<hbm>>) target_semaphore(%arg15 : memref<!tpu.dma_semaphore, #tpu.memory_space<semaphore_mem>>)
      %add3A_103 = arith.constant 2 : i32
      %add3A_104 = arith.addi %add3A_71, %add3A_103 : i32
      %lt3A_105 = arith.constant 16 : i32
      %lt3A_106 = arith.cmpi slt, %add3A_104, %lt3A_105 : i32
      %convert_element_type3A_107 = arith.extui %lt3A_106 : i1 to i32
      %cond3A_108 = arith.constant 0 : i32
      %cond3A_109 = arith.cmpi ne, %convert_element_type3A_107, %cond3A_108 : i32
      scf.if %cond3A_109 {
        %add3A_110 = arith.constant 2 : i32
        %add3A_111 = arith.addi %add3A_71, %add3A_110 : i32
        %add3A_112 = arith.constant 32 : i32
        %add3A_113 = arith.addi %add3A_112, %add3A_111 : i32
        %mul3A_114 = arith.constant 512 : i32
        %mul3A_115 = arith.muli %add3A_113, %mul3A_114 : i32
        %add3A_116 = arith.addi %mul3A_115, %mul3A_2 : i32
        %dma_start3A_117 = arith.constant 0 : i32
        %dma_start3A_118 = tpu.memref_slice %arg2[%add3A_116, %dma_start3A_117] : memref<24576x768xf32, #tpu.memory_space<hbm>> -> memref<16x768xf32, #tpu.memory_space<hbm>>
        %dma_start3A_119 = arith.constant 0 : i32
        %dma_start3A_120 = tpu.memref_slice %arg2[%add3A_116, %dma_start3A_119] : memref<24576x768xf32, #tpu.memory_space<hbm>> -> memref<16x768xf32, #tpu.memory_space<hbm>>
        tpu.enqueue_dma source(%dma_start3A_120 : memref<16x768xf32, #tpu.memory_space<hbm>>) target(%arg7 : memref<16x768xf32, #tpu.memory_space<vmem>>) target_semaphore(%arg13 : memref<!tpu.dma_semaphore, #tpu.memory_space<semaphore_mem>>)
      } else {
      }
    }
    %scan3A_18 = arith.constant 8 : i32
    %add3A_19 = arith.constant 7168 : i32
    %add3A_20 = arith.addi %add3A_19, %mul3A_2 : i32
    %dma_wait3A = arith.constant 0 : i32
    %dma_wait3A_21 = tpu.memref_slice %arg5[%add3A_20, %dma_wait3A] : memref<8192x768xf32, #tpu.memory_space<hbm>> -> memref<16x768xf32, #tpu.memory_space<hbm>>
    %dma_wait3A_22 = arith.constant 0 : i32
    %dma_wait3A_23 = tpu.memref_slice %arg5[%add3A_20, %dma_wait3A_22] : memref<8192x768xf32, #tpu.memory_space<hbm>> -> memref<16x768xf32, #tpu.memory_space<hbm>>
    tpu.wait_dma2 semaphore(%arg14 : memref<!tpu.dma_semaphore, #tpu.memory_space<semaphore_mem>>) src(%arg8 : memref<16x768xf32, #tpu.memory_space<vmem>>) dst(%dma_wait3A_23 : memref<16x768xf32, #tpu.memory_space<hbm>>)
    %add3A_24 = arith.constant 7680 : i32
    %add3A_25 = arith.addi %add3A_24, %mul3A_2 : i32
    %dma_wait3A_26 = arith.constant 0 : i32
    %dma_wait3A_27 = tpu.memref_slice %arg5[%add3A_25, %dma_wait3A_26] : memref<8192x768xf32, #tpu.memory_space<hbm>> -> memref<16x768xf32, #tpu.memory_space<hbm>>
    %dma_wait3A_28 = arith.constant 0 : i32
    %dma_wait3A_29 = tpu.memref_slice %arg5[%add3A_25, %dma_wait3A_28] : memref<8192x768xf32, #tpu.memory_space<hbm>> -> memref<16x768xf32, #tpu.memory_space<hbm>>
    tpu.wait_dma2 semaphore(%arg15 : memref<!tpu.dma_semaphore, #tpu.memory_space<semaphore_mem>>) src(%arg9 : memref<16x768xf32, #tpu.memory_space<vmem>>) dst(%dma_wait3A_29 : memref<16x768xf32, #tpu.memory_space<hbm>>)
    return
  }
}

module attributes {stable_mosaic.version = 14 : i64} {
  func.func @body(%arg0: i32, %arg1: memref<2x512x768xf32, #tpu.memory_space<vmem>>, %arg2: memref<12x768xf32, #tpu.memory_space<vmem>>, %arg3: memref<512x768xf32, #tpu.memory_space<vmem>>, %arg4: memref<2x512x768xf32, #tpu.memory_space<vmem>>) attributes {dimension_semantics = [#tpu.dimension_semantics<arbitrary>], iteration_bounds = array<i64: 16>, scalar_prefetch = 0 : i64, scratch_operands = 0 : i64, tpu.core_type = #tpu.core_type<tc>, window_params = [{transform_indices = @transform_0, window_bounds = array<i64: 2, 512, 768>}, {pipeline_mode = #tpu.pipeline_mode<synchronous>, transform_indices = @transform_1, window_bounds = array<i64: 12, 768>}, {pipeline_mode = #tpu.pipeline_mode<synchronous>, transform_indices = @transform_2, window_bounds = array<i64: 512, 768>}, {transform_indices = @transform_3, window_bounds = array<i64: 2, 512, 768>}]} {
    %mul3A = arith.constant 2 : i32
    %mul3A_0 = arith.muli %arg0, %mul3A : i32
    %add3A = arith.constant 0 : i32
    %add3A_1 = arith.addi %mul3A_0, %add3A : i32
    %rem3A = arith.constant 12 : i32
    %rem3A_2 = arith.remsi %add3A_1, %rem3A : i32
    %get3A = arith.constant 0 : index
    %get3A_3 = arith.constant 0 : index
    %get3A_4 = arith.constant 0 : index
    %get3A_5 = vector.load %arg1[%get3A, %get3A_3, %get3A_4] : memref<2x512x768xf32, #tpu.memory_space<vmem>>, vector<1x512x768xf32>
    %get3A_6 = vector.shape_cast %get3A_5 : vector<1x512x768xf32> to vector<512x768xf32>
    %get3A_7 = arith.constant 0 : index
    %get3A_8 = arith.constant 0 : index
    %get3A_9 = vector.load %arg3[%get3A_7, %get3A_8] : memref<512x768xf32, #tpu.memory_space<vmem>>, vector<512x768xf32>
    %add3A_10 = arith.addf %get3A_6, %get3A_9 : vector<512x768xf32>
    %get3A_11 = arith.index_cast %rem3A_2 : i32 to index
    %get3A_12 = arith.constant 0 : index
    %get3A_13 = vector.load %arg2[%get3A_11, %get3A_12] : memref<12x768xf32, #tpu.memory_space<vmem>>, vector<1x768xf32>
    %add3A_14 = vector.broadcast %get3A_13 : vector<1x768xf32> to vector<512x768xf32>
    %add3A_15 = arith.addf %add3A_10, %add3A_14 : vector<512x768xf32>
    %swap3A = arith.constant 0 : index
    %swap3A_16 = arith.constant 0 : index
    %swap3A_17 = arith.constant 0 : index
    %swap3A_18 = vector.load %arg4[%swap3A, %swap3A_16, %swap3A_17] : memref<2x512x768xf32, #tpu.memory_space<vmem>>, vector<1x512x768xf32>
    %swap3A_19 = vector.shape_cast %swap3A_18 : vector<1x512x768xf32> to vector<512x768xf32>
    %swap3A_20 = vector.shape_cast %add3A_15 : vector<512x768xf32> to vector<1x512x768xf32>
    tpu.vector_store %arg4[%swap3A, %swap3A_16, %swap3A_17], %swap3A_20 {strides = array<i32>} : memref<2x512x768xf32, #tpu.memory_space<vmem>>, vector<1x512x768xf32>,
    %mul3A_21 = arith.constant 2 : i32
    %mul3A_22 = arith.muli %arg0, %mul3A_21 : i32
    %add3A_23 = arith.constant 1 : i32
    %add3A_24 = arith.addi %mul3A_22, %add3A_23 : i32
    %rem3A_25 = arith.constant 12 : i32
    %rem3A_26 = arith.remsi %add3A_24, %rem3A_25 : i32
    %get3A_27 = arith.constant 1 : index
    %get3A_28 = arith.constant 0 : index
    %get3A_29 = arith.constant 0 : index
    %get3A_30 = vector.load %arg1[%get3A_27, %get3A_28, %get3A_29] : memref<2x512x768xf32, #tpu.memory_space<vmem>>, vector<1x512x768xf32>
    %get3A_31 = vector.shape_cast %get3A_30 : vector<1x512x768xf32> to vector<512x768xf32>
    %get3A_32 = arith.constant 0 : index
    %get3A_33 = arith.constant 0 : index
    %get3A_34 = vector.load %arg3[%get3A_32, %get3A_33] : memref<512x768xf32, #tpu.memory_space<vmem>>, vector<512x768xf32>
    %add3A_35 = arith.addf %get3A_31, %get3A_34 : vector<512x768xf32>
    %get3A_36 = arith.index_cast %rem3A_26 : i32 to index
    %get3A_37 = arith.constant 0 : index
    %get3A_38 = vector.load %arg2[%get3A_36, %get3A_37] : memref<12x768xf32, #tpu.memory_space<vmem>>, vector<1x768xf32>
    %add3A_39 = vector.broadcast %get3A_38 : vector<1x768xf32> to vector<512x768xf32>
    %add3A_40 = arith.addf %add3A_35, %add3A_39 : vector<512x768xf32>
    %swap3A_41 = arith.constant 1 : index
    %swap3A_42 = arith.constant 0 : index
    %swap3A_43 = arith.constant 0 : index
    %swap3A_44 = vector.load %arg4[%swap3A_41, %swap3A_42, %swap3A_43] : memref<2x512x768xf32, #tpu.memory_space<vmem>>, vector<1x512x768xf32>
    %swap3A_45 = vector.shape_cast %swap3A_44 : vector<1x512x768xf32> to vector<512x768xf32>
    %swap3A_46 = vector.shape_cast %add3A_40 : vector<512x768xf32> to vector<1x512x768xf32>
    tpu.vector_store %arg4[%swap3A_41, %swap3A_42, %swap3A_43], %swap3A_46 {strides = array<i32>} : memref<2x512x768xf32, #tpu.memory_space<vmem>>, vector<1x512x768xf32>,
    return
  }
  func.func @transform_0(%arg0: i32) -> (i32, i32, i32) {
    %c0_i32 = arith.constant 0 : i32
    %c0_i32_0 = arith.constant 0 : i32
    %c0_i32_1 = arith.constant 0 : i32
    return %arg0, %c0_i32, %c0_i32_0 : i32, i32, i32
  }
  func.func @transform_1(%arg0: i32) -> (i32, i32) {
    %c0_i32 = arith.constant 0 : i32
    %c0_i32_0 = arith.constant 0 : i32
    %c0_i32_1 = arith.constant 0 : i32
    return %c0_i32, %c0_i32_0 : i32, i32
  }
  func.func @transform_2(%arg0: i32) -> (i32, i32) {
    %c0_i32 = arith.constant 0 : i32
    %c0_i32_0 = arith.constant 0 : i32
    %c0_i32_1 = arith.constant 0 : i32
    return %c0_i32, %c0_i32_0 : i32, i32
  }
  func.func @transform_3(%arg0: i32) -> (i32, i32, i32) {
    %c0_i32 = arith.constant 0 : i32
    %c0_i32_0 = arith.constant 0 : i32
    %c0_i32_1 = arith.constant 0 : i32
    return %arg0, %c0_i32, %c0_i32_0 : i32, i32, i32
  }
}

</mosaic_0001>

<sc_bundles>
// kernel: kernel.4.cloned.1.call-start
scs
__scs_entry_jumppad:
0x0: {  	(pc) =	sbr.rel $0x88, $3  }
0x1: {  	(tag) =	ssettag $0x0;
	lr =	simm.s32 $0x1  }
0x2: {  	[smem:$0x3F9E] =	sst lr;
	_ =	strace $0xD0000000  }
0x3: {  	_ = 	snop  }
0x4: {  	_ = 	snop  }
0x5: {  	_ = 	snop  }
0x6: {  	_ = 	snop  }
0x7: {  	_ = 	snop  }
__scs_overlays_trampoline_lowered:
0x8: {  	[smem:$0x3FAD] =	sst s0  }
0x9: {  	[smem:$0x3FAE] =	sst s1  }
0xa: {  	[smem:$0x3FAF] =	sst s2  }
0xb: {  	[smem:$0x3FB0] =	sst s3  }
0xc: {  	[smem:$0x3FB1] =	sst s4  }
0xd: {  	[smem:$0x3FB2] =	sst s5  }
0xe: {  	[smem:$0x3FB3] =	sst s6  }
0xf: {  	[smem:$0x3FB4] =	sst s7  }
0x10: {  	[smem:$0x3FB5] =	sst s8  }
0x11: {  	[smem:$0x3FB6] =	sst s9;
	s0 =	simm.s32 @!p0 $0x0  }
0x12: {  	s1 =	sld [smem:$0x3F9C];
	s0 =	simm.s32 @p0 $0x1  }
0x13: {  	[smem:$0x3FB7] =	sst s0;
	s0 =	simm.s32 @!p1 $0x0  }
0x14: {  	s2 =	sld [smem:$0x3F9B];
	s0 =	simm.s32 @p1 $0x1  }
0x15: {  	[smem:$0x3FB8] =	sst s0;
	s0 =	simm.s32 @!p2 $0x0  }
0x16: {  	s3 =	sld [smem:$0x3FDB];
	s0 =	simm.s32 @p2 $0x1  }
0x17: {  	s4 =	simm.s32 $0x1BF5;
	[smem:$0x3FBA] =	sst s0  }
0x18: {  	s0 =	sld [smem:$0x3F9D];
	_ =	swait.ge [sflag:s4], $0x0  }
0x19: {  	s7 =	sld [smem:$0x3F9E]  }
0x1a: {  	s8 =	sadd.s32 $0xFFFFE003, lr  }
0x1b: {  	s9 =	sadd.s32 $0xFFFFFEF7, lr;
	s5 =	simm.s32 $0xFFFFFFFF;
	p2 =	slt.u32 s8, $0xFFFFF086  }
0x1c: {  	p1 =	slt.u32 s9, $0xF7A;
	s5 =	simm.s32 @!p2 $0x0  }
0x1d: {  	s5 =	simm.s32 @p1 $0x1;
	p0 =	seq.s32 s7, s2  }
0x1e: {  	s7 =	smul.u32 @!p0 $0xF7A, s2;
	p2 =	seq.s32 @!p0 s5, $0x0  }
0x1f: {  	s9 =	smul.u32 $0xF7A, s1;
	s8 =	simm.s32 @!p0 $0x1BF5;
	p2 =	por !p2, p0  }
0x20: {  	[sflag:s8] =	ssyncset.s32 @!p0 $0xFFFFF086;
	s6 =	sadd.s32 @!p0 s3, s7;
	s7 =	simm.s32 @!p0 $0x108  }
0x21: {  	s3 =	sadd.s32 s3, s9;
	s6 =	sadd.s32 @!p0 $0x88, s6;
	s7 =	simm.s32 @p2 $0x1082  }
0x22: {  	[simem:s7], [sflag:s8] =	dma.local @!p0 [hbm:s6], $0xF7A  }
0x23: {  	s9 =	sor.u32 $0xD0000000, s2;
	s6 =	simm.s32 $0x108;
	_ =	swait.ge @!p0 [sflag:s8], $0x0  }
0x24: {  	s3 =	sadd.s32 $0x88, s3;
	s6 =	simm.s32 @!p1 $0x1082;
	[sflag:s4] =	ssyncset.s32 $0xFFFFF086  }
0x25: {  	[simem:s6], [sflag:s4] =	dma.local [hbm:s3], $0xF7A  }
0x26: {  	[smem:$0x3F9E] =	sst s1;
	(tag) =	ssettag s2;
	_ =	strace s9  }
0x27: {  	s1 =	sld [smem:$0x3FAE]  }
0x28: {  	s2 =	sld [smem:$0x3FAF]  }
0x29: {  	s4 =	sld [smem:$0x3FB1]  }
0x2a: {  	p0 =	seq.s32 s5, $0x0;
	s5 =	sld [smem:$0x3FB2]  }
0x2b: {  	s6 =	sld [smem:$0x3FB3]  }
0x2c: {  	s7 =	sld [smem:$0x3FB4]  }
0x2d: {  	s3 =	simm.s32 $0x108;
	s8 =	sld [smem:$0x3FB5]  }
0x2e: {  	s3 =	simm.s32 @!p0 $0x1082;
	s9 =	sld [smem:$0x3FB6]  }
0x2f: {  	lr =	sadd.s32 s0, s3;
	s0 =	sld [smem:$0x3FAD]  }
0x30: {  	s3 =	sld [smem:$0x3FB0]  }
0x31: {  	[smem:$0x3FB9] =	sst s10  }
0x32: {  	s10 =	sld [smem:$0x3FB7];
	_ =	sdelay $0x3  }
0x33: {  	p0 =	seq.s32 s10, $0x1;
	s10 =	sld [smem:$0x3FB9];
	_ =	sdelay $0x3  }
0x34: {  	[smem:$0x3FB9] =	sst s10  }
0x35: {  	s10 =	sld [smem:$0x3FB8];
	_ =	sdelay $0x3  }
0x36: {  	p1 =	seq.s32 s10, $0x1;
	s10 =	sld [smem:$0x3FB9];
	_ =	sdelay $0x3  }
0x37: {  	[smem:$0x3FB9] =	sst s10  }
0x38: {  	s10 =	sld [smem:$0x3FBA]  }
0x39: {  	_ = 	snop;
	(pc) =	sbr.ind lr, $3  }
0x3a: {  	_ = 	snop  }
0x3b: {  	_ = 	snop  }
0x3c: {  	p2 =	seq.s32 s10, $0x1;
	s10 =	sld [smem:$0x3FB9]  }
0x3d: {  	_ =	shalt  }
0x3e: {  	_ =	shalt  }
0x3f: {  	_ =	shalt  }
0x40: {  	_ =	shalt  }
0x41: {  	_ =	shalt  }
0x42: {  	_ =	shalt  }
0x43: {  	_ =	shalt  }
0x44: {  	_ =	shalt  }
0x45: {  	_ =	shalt  }
0x46: {  	_ =	shalt  }
0x47: {  	_ =	shalt  }
0x48: {  	_ =	shalt  }
0x49: {  	_ =	shalt  }
0x4a: {  	_ =	shalt  }
0x4b: {  	_ =	shalt  }
0x4c: {  	_ =	shalt  }
0x4d: {  	_ =	shalt  }
0x4e: {  	_ =	shalt  }
0x4f: {  	_ =	shalt  }
0x50: {  	_ =	shalt  }
0x51: {  	_ =	shalt  }
0x52: {  	_ =	shalt  }
0x53: {  	_ =	shalt  }
0x54: {  	_ =	shalt  }
0x55: {  	_ =	shalt  }
0x56: {  	_ =	shalt  }
0x57: {  	_ =	shalt  }
0x58: {  	_ =	shalt  }
0x59: {  	_ =	shalt  }
0x5a: {  	_ =	shalt  }
0x5b: {  	_ =	shalt  }
0x5c: {  	_ =	shalt  }
0x5d: {  	_ =	shalt  }
0x5e: {  	_ =	shalt  }
0x5f: {  	_ =	shalt  }
0x60: {  	_ =	shalt  }
0x61: {  	_ =	shalt  }
0x62: {  	_ =	shalt  }
0x63: {  	_ =	shalt  }
0x64: {  	_ =	shalt  }
0x65: {  	_ =	shalt  }
0x66: {  	_ =	shalt  }
0x67: {  	_ =	shalt  }
0x68: {  	_ =	shalt  }
0x69: {  	_ =	shalt  }
0x6a: {  	_ =	shalt  }
0x6b: {  	_ =	shalt  }
0x6c: {  	_ =	shalt  }
0x6d: {  	_ =	shalt  }
0x6e: {  	_ =	shalt  }
0x6f: {  	_ =	shalt  }
0x70: {  	_ =	shalt  }
0x71: {  	_ =	shalt  }
0x72: {  	_ =	shalt  }
0x73: {  	_ =	shalt  }
0x74: {  	_ =	shalt  }
0x75: {  	_ =	shalt  }
0x76: {  	_ =	shalt  }
0x77: {  	_ =	shalt  }
0x78: {  	_ =	shalt  }
0x79: {  	_ =	shalt  }
0x7a: {  	_ =	shalt  }
0x7b: {  	_ =	shalt  }
0x7c: {  	_ =	shalt  }
0x7d: {  	_ =	shalt  }
0x7e: {  	_ =	shalt  }
0x7f: {  	_ =	shalt  }
0x80: {  	_ =	shalt  }
0x81: {  	_ =	shalt  }
0x82: {  	_ =	shalt  }
0x83: {  	_ =	shalt  }
0x84: {  	_ =	shalt  }
0x85: {  	_ =	shalt  }
0x86: {  	_ =	shalt  }
0x87: {  	_ =	shalt  }
.Lfunc_end0:
.L_simem_size_0:
called_computation_lowered:
.L_overlay_start_0:
0x88: {  	s2 =	sld [smem:$0x3FD9]  }
0x89: {  	s3 =	sld [smem:$0x3FFE];
	_ =	sdelay $0x1  }
0x8a: {  	s1 =	srdreg.scid  }
0x8b: {  	s0 =	sand.u32 $0x1, s1  }
0x8c: {  	s17 =	sshll.u32 s0, $0xA;
	s2 =	sadd.s32 s3, s2  }
0x8d: {  	s2 =	sadd.s32 s2, s17  }
0x8e: {  	[smem:$0x3FC5] =	sst s2  }
0x8f: {  	_ = 	snop  }
0x90: {  	s2 =	sld [smem:$0x3FC9]  }
0x91: {  	s18 =	sld [smem:$0x3FC8]  }
0x92: {  	s4 =	sld [smem:$0x3FC7];
	(tm) =	ssettm $0x1  }
0x93: {  	s5 =	sld [smem:$0x3FFB];
	_ =	sdelay $0x3  }
0x94: {  	_ =	strace s5  }
0x95: {  	s5 =	sld [smem:$0x3FFC];
	_ =	sdelay $0x3  }
0x96: {  	_ =	strace s5  }
0x97: {  	s5 =	sld [smem:$0x3FFD];
	_ =	sdelay $0x3  }
0x98: {  	_ =	strace s5  }
0x99: {  	_ =	strace $0x8FFFFFFF  }
0x9a: {  	s19 =	sld [smem:$0x3FDB];
	_ =	sdelay $0x1  }
0x9b: {  	s6 =	simm.s32 $_scs_section_size  }
0x9c: {  	s7 =	simm.s32 $_size__tile_overlayer_lowered;
	s8 =	simm.s32 $_tile_overlayer_lowered  }
0x9d: {  	s22 =	simm.s32 $0x1BFF;
	s21 =	sshll.u32 s8, $0x1;
	s5 =	sadd.s32 s6, s19  }
0x9e: {  	s9 =	simm.s32 $0x0;
	s20 =	sshll.u32 s7, $0x1;
	s7 =	sadd.s32 s21, s5  }
0x9f: {  	[timem:s9], [sflag:s22] =	dma.local [hbm:s7], s20  }
0xa0: {  	_ =	swait.ge [sflag:s22], s20  }
0xa1: {  	s6 =	ssub.s32 $0x0, s20;
	[sflag:s22] =	ssyncset.done $0x0  }
0xa2: {  	[sflag:s22] =	ssyncadd.s32 s6;
	_ =	sdelay $0x1  }
0xa3: {  	s23 =	simm.s32 $0x1B8B  }
0xa4: {  	_ =	swait.ge [sflag:s23], $0x1  }
0xa5: {  	[sflag:s23] =	ssyncset.done $0x0  }
0xa6: {  	s25 =	simm.s32 $0x1B8E;
	s24 =	sld [smem:$0x3FFE];
	[sflag:s23] =	ssyncadd.s32 $0xFFFFFFFF  }
0xa7: {  	s26 =	simm.s32 $execute0_lowered;
	[smem:$0x3FD2] =	sst s25  }
0xa8: {  	s7 =	sshll.u32 s26, $0x1;
	_ =	strace $0x80000046;
	[dreg:$0x1] =	wrdreg $0xFFFFFFFF  }
0xa9: {  	s28 =	simm.s32 $_size_execute0_lowered;
	s5 =	sadd.s32 s5, s7;
	[dreg:$0x0] =	wrdreg $0x0  }
0xaa: {  	s7 =	sshll.u32 s28, $0x1;
	[dreg:$0x2] =	wrdreg s5  }
0xab: {  	[dreg:$0x3] =	wrdreg s7  }
0xac: {  	[dreg:$0x4] =	wrdreg $0xC0  }
0xad: {  	_ =	task [dreg:s9], $0x5FFFF  }
0xae: {  	[dreg:$0x1] =	wrdreg $0xFFFFFFFF  }
0xaf: {  	[dreg:$0x0] =	wrdreg $0x60  }
0xb0: {  	[dreg:$0x2] =	wrdreg s2  }
0xb1: {  	[dreg:$0x3] =	wrdreg s18  }
0xb2: {  	[dreg:$0x4] =	wrdreg s4  }
0xb3: {  	[dreg:$0x5] =	wrdreg s24  }
0xb4: {  	[dreg:$0x6] =	wrdreg $0x9  }
0xb5: {  	_ =	task.clear_ibuf [dreg:s9], $0x7FFFF;
	_ =	strace $0x90000046  }
0xb6: {  	s29 =	simm.s32 $0x9;
	_ =	strace $0x80000048  }
0xb7: {  	_ =	swait.ge [sflag:s29], $0x1  }
0xb8: {  	[sflag:s29] =	ssyncadd.s32 $0xFFFFFFFF  }
0xb9: {  	_ =	strace $0x90000048  }
0xba: {  	_ =	sfence  }
0xbb: {  	s30 =	sld [smem:$0x0];
	_ =	sdelay $0x2  }
0xbc: {  	s31 =	sshll.u32 s1, $0xD;
	s1 =	sshrl.u32 s1, $0x2  }
0xbd: {  	s3 =	sand.u32 $0x4000, s31;
	s1 =	sadd.s32 s1, s30  }
0xbe: {  	s0 =	sor.u32 s3, s0;
	s1 =	sshll.u32 s1, $0x11  }
0xbf: {  	s0 =	sor.u32 s1, s0  }
0xc0: {  	s0 =	sadd.s32 $0x8F2B, s0  }
0xc1: {  	[sflag:s0] =	ssyncadd.remote.s32 $0x1  }
0xc2: {  	_ =	sfence.sel $0xFFFF  }
0xc3: {  	[dreg:$0x0] =	wrdreg $0xFFFFFFFF;
	(pc) =	sbr.abs _section_cstart, $3  }
0xc4: {  	[dreg:$0x1] =	wrdreg $0xFFFFFFFF  }
0xc5: {  	_ =	task.clear_ibuf [dreg:s9], $0x2FFFF;
	_ =	strace $0x9FFFFFFF  }
0xc6: {  	(tm) =	ssettm $0x7FFFFFFF  }
0xc7: {  	_ =	shalt  }
tec
execute0_lowered:
.L_overlay_start_1:
0x0: {  	(tag) =	ssettag $0x1  }
0x1: {  	s1 =	rddreg [dreg:$0x0];
	s0 =	srdreg.scid  }
0x2: {  	s3 =	stileid.u32;
	s2 =	rddreg [dreg:$0x2]  }
0x3: {  	s12 =	rddreg [dreg:$0x3];
	s5 =	simm.s32 $0x0;
	s15 =	simm.s32 $0x5  }
0x4: {  	s17 =	simm.s32 $0x3000;
	s18 =	simm.s32 $0x1;
	s19 =	simm.s32 $0x6000  }
0x5: {  	s20 =	simm.s32 $0x2;
	s21 =	simm.s32 $0x9000;
	s22 =	simm.s32 $0x3  }
0x6: {  	s23 =	simm.s32 $0x4;
	s24 =	simm.s32 $0x0;
	s0 =	sand.u32 $0x1, s0  }
0x7: {  	s3 =	sshll.u32 s3, $0x5;
	[smem:$0x7FF] =	sst s5;
	s4 =	sshll.u32 s0, $0x4  }
0x8: {  	s6 =	sadd.s32 $0x800, s12;
	s12 =	sadd.s32 $0xC800, s12;
	s4 =	sor.u32 s4, s3  }
.Ltmp0:
0x9: {  	s0 =	ssub.s32 $0x2, s0;
	s3 =	sshrl.u32 s4, $0x3;
	(pc) =	sbr.rel .LBB2_1-.Ltmp0, $4  }
0xa: {  	_ =	strace $0x80000047;
	s7 =	sshrl.u32 s0, $0x1;
	s3 =	smul.u32 $0x300, s3  }
0xb: {  	s0 =	ssub.s32 s0, s7;
	s10 =	sor.u32 $0x4400, s4;
	s11 =	sor.u32 $0x4600, s4  }
0xc: {  	s13 =	smax.u32 s0, $0x1;
	s9 =	sadd.s32 s3, s1;
	s2 =	sadd.s32 s2, s3  }
0xd: {  	[dreg:$0x5] =	wrdreg s2;
	s8 =	sadd.s32 $0x180000, s9;
	s9 =	sadd.s32 $0x18C000, s9  }
.LBB2_8:
0xe: {  	s24 =	sadd.s32 $0x1, s24  }
0xf: {  	_ =	swait.ge [sflag:s22], $0x3000;
	p0 =	sne.s32 s24, s13  }
.Ltmp1:
0x10: {  	[sflag:s22] =	ssyncset.done $0x0;
	(pc) =	sbr.rel @!p0 .LBB2_9-.Ltmp1, $4  }
0x11: {  	[sflag:s22] =	ssyncadd.s32 $0xFFFFD000  }
0x12: {  	_ =	swait.ge [sflag:s23], $0x3000  }
0x13: {  	[sflag:s23] =	ssyncset.done $0x0  }
0x14: {  	[sflag:s23] =	ssyncadd.s32 $0xFFFFD000  }
.LBB2_1:
0x15: {  	s0 =	rddreg [dreg:$0x5];
	s2 =	simm.s32 $0xC000  }
0x16: {  	[tilespmem:s2], [sflag:$0x5] =	stream.linear.gather [hbm4b:s0+s5], $0x3000, $0x38;
	[tilespmem:$0x12000] =	vst v63  }
0x17: {  	_ =	swait.ge [sflag:s15], $0x3000  }
0x18: {  	[sflag:s15] =	ssyncset.done $0x0  }
0x19: {  	[sflag:s15] =	ssyncadd.s32 $0xFFFFD000  }
0x1a: {  	s31 =	simm.s32 $0xF000;
	s30 =	rddreg [dreg:$0x1]  }
0x1b: {  	[tilespmem:s31], [sflag:$0x5] =	stream.linear.gather [hbm4b:s30+s5], $0x3000, $0x38;
	[tilespmem:$0x12000] =	vst v63  }
0x1c: {  	_ =	swait.ge [sflag:s15], $0x3000  }
0x1d: {  	[sflag:s15] =	ssyncset.done $0x0  }
0x1e: {  	[sflag:s15] =	ssyncadd.s32 $0xFFFFD000  }
0x1f: {  	[tilespmem:s5], [sflag:$0x1] =	stream.linear.gather [hbm4b:s8+s5], $0x3000, $0x38;
	[tilespmem:$0x12000] =	vst v63  }
0x20: {  	s25 =	simm.s32 $0x0  }
0x21: {  	[tilespmem:s17], [sflag:$0x2] =	stream.linear.gather [hbm4b:s9+s5], $0x3000, $0x38;
	[tilespmem:$0x12000] =	vst v63  }
.LBB2_2:
0x22: {  	s28 =	sshll.u32 s25, $0x1  }
0x23: {  	s0 =	sor.u32 $0x20, s28  }
0x24: {  	s2 =	sand.u32 $0xFF, s0  }
0x25: {  	s2 =	smul.u32 $0xAB, s2;
	_ =	sdelay $0x1  }
0x26: {  	s2 =	sshrl.u32 s2, $0xB  }
0x27: {  	s2 =	smul.u32 $0xC, s2;
	_ =	sdelay $0x1  }
0x28: {  	s0 =	ssub.s32 s0, s2  }
0x29: {  	_ =	swait.ge [sflag:s18], $0x3000;
	s2 =	sand.u32 $0xF8, s0  }
0x2a: {  	p0 =	seq.s32 s25, $0x0;
	s26 =	simm.s32 $0x0;
	s2 =	sshrl.u32 s2, $0x3  }
0x2b: {  	[sflag:s18] =	ssyncset.done $0x0;
	s3 =	simm.s32 @!p0 $0x3;
	s2 =	smul.u32 $0x6000, s2  }
0x2c: {  	s14 =	sand.u32 $0x1C00, s26;
	[sflag:s18] =	ssyncadd.s32 $0xFFFFD000;
	s0 =	sshll.u32 s0, $0x7  }
0x2d: {  	_ =	swait.ge @!p0 [sflag:s3], $0x3000;
	s0 =	sand.u32 $0x300, s0;
	s2 =	sshrl.u32 s2, $0x2  }
0x2e: {  	[sflag:s3] =	ssyncset.done @!p0 $0x0;
	s0 =	sor.u32 s0, s2;
	s2 =	sand.u32 $0x70, s26  }
0x2f: {  	[sflag:s3] =	ssyncadd.s32 @!p0 $0xFFFFD000;
	s16 =	sor.u32 s14, s2  }
0x30: {  	v1 =	vld [tilespmem:s16+$0xC180]  }
0x31: {  	v2 =	vld [tilespmem:s16+$0xC100]  }
0x32: {  	v3 =	vld [tilespmem:s16+$0xC080]  }
0x33: {  	v4 =	vld [tilespmem:s16+$0x180]  }
0x34: {  	s29 =	sadd.s32 $0xF000, s0;
	v5 =	vld [tilespmem:s16+$0x100]  }
0x35: {  	s7 =	sadd.s32 s14, s29;
	v6 =	vld [tilespmem:s16+$0xC000]  }
0x36: {  	v7 =	vld [tilespmem:s16+$0x0];
	s3 =	sadd.s32 s2, s7  }
0x37: {  	v0 =	vld [tilespmem:s3+$0x0]  }
0x38: {  	v8 =	vld [tilespmem:s16+$0x80];
	_ =	sdelay $0x1  }
0x39: {  	v1 =	vadd.f32 v1, v4  }
0x3a: {  	v2 =	vadd.f32 v2, v5  }
0x3b: {  	v4 =	vadd.f32 v6, v7;
	v1 =	vadd.f32 v1, v0  }
0x3c: {  	v3 =	vadd.f32 v3, v8;
	v2 =	vadd.f32 v2, v0  }
0x3d: {  	v4 =	vadd.f32 v4, v0;
	[tilespmem:s16+$0x6180] =	vst v1  }
0x3e: {  	v1 =	vadd.f32 v3, v0;
	[tilespmem:s16+$0x6100] =	vst v2  }
0x3f: {  	s3 =	sor.u32 $0x200, s2;
	[tilespmem:s16+$0x6000] =	vst v4  }
0x40: {  	[tilespmem:s16+$0x6080] =	vst v1;
	s16 =	sor.u32 s14, s3  }
0x41: {  	v1 =	vld [tilespmem:s16+$0xC180]  }
0x42: {  	v2 =	vld [tilespmem:s16+$0x180]  }
0x43: {  	v3 =	vld [tilespmem:s16+$0x100]  }
0x44: {  	v4 =	vld [tilespmem:s16+$0xC100]  }
0x45: {  	v5 =	vld [tilespmem:s16+$0x80]  }
0x46: {  	v6 =	vld [tilespmem:s16+$0xC080]  }
0x47: {  	v7 =	vld [tilespmem:s16+$0xC000]  }
0x48: {  	v63 =	vld [tilespmem:s16+$0x0];
	_ =	sdelay $0x1  }
0x49: {  	v1 =	vadd.f32 v1, v2  }
0x4a: {  	v2 =	vadd.f32 v4, v3  }
0x4b: {  	v3 =	vadd.f32 v6, v5;
	v1 =	vadd.f32 v1, v0  }
0x4c: {  	v4 =	vadd.f32 v7, v63;
	v2 =	vadd.f32 v2, v0  }
0x4d: {  	[tilespmem:s16+$0x6180] =	vst v1;
	v1 =	vadd.f32 v3, v0  }
0x4e: {  	[tilespmem:s16+$0x6100] =	vst v2;
	v2 =	vadd.f32 v4, v0  }
0x4f: {  	s31 =	sadd.s32 $0x1800, s14;
	[tilespmem:s16+$0x6080] =	vst v1  }
0x50: {  	s0 =	sor.u32 s31, s2;
	[tilespmem:s16+$0x6000] =	vst v2  }
0x51: {  	v3 =	vld [tilespmem:s0+$0xC180]  }
0x52: {  	v1 =	vld [tilespmem:s0+$0x80]  }
0x53: {  	v2 =	vld [tilespmem:s0+$0xC100]  }
0x54: {  	s30 =	simm.s32 $0x10;
	v4 =	vld [tilespmem:s0+$0x180]  }
.LBB2_3:
0x55: {  	p1 =	sne.s32 s30, $0x2F0  }
0x56: {  	v5 =	vld [tilespmem:s0+$0xC000];
	s26 =	sadd.s32 $0x80, s26;
	s2 =	smov.u32 s30;
	s30 =	sadd.s32 $0x10, s30  }
0x57: {  	v6 =	vld [tilespmem:s0+$0x0]  }
0x58: {  	v7 =	vld [tilespmem:s0+$0x100]  }
0x59: {  	v8 =	vld [tilespmem:s0+$0xC080]  }
0x5a: {  	v3 =	vadd.f32 v3, v4;
	_ =	sdelay $0x1  }
0x5b: {  	v4 =	vadd.f32 v5, v6;
	v3 =	vadd.f32 v3, v0  }
0x5c: {  	v2 =	vadd.f32 v2, v7  }
0x5d: {  	v4 =	vadd.f32 v4, v0;
	v1 =	vadd.f32 v8, v1;
	[tilespmem:s0+$0x6180] =	vst v3  }
0x5e: {  	v2 =	vadd.f32 v2, v0  }
0x5f: {  	[tilespmem:s0+$0x6000] =	vst v4;
	v1 =	vadd.f32 v1, v0  }
0x60: {  	[tilespmem:s0+$0x6100] =	vst v2  }
0x61: {  	s3 =	sor.u32 s31, s3;
	[tilespmem:s0+$0x6080] =	vst v1  }
0x62: {  	v1 =	vld [tilespmem:s3+$0x0]  }
0x63: {  	v2 =	vld [tilespmem:s3+$0xC080]  }
0x64: {  	v3 =	vld [tilespmem:s3+$0xC180]  }
0x65: {  	v4 =	vld [tilespmem:s3+$0xC100]  }
0x66: {  	v5 =	vld [tilespmem:s3+$0x180]  }
0x67: {  	v6 =	vld [tilespmem:s3+$0x100]  }
0x68: {  	v7 =	vld [tilespmem:s3+$0xC000]  }
0x69: {  	v8 =	vld [tilespmem:s3+$0x80];
	_ =	sdelay $0x1  }
0x6a: {  	v3 =	vadd.f32 v3, v5  }
0x6b: {  	v4 =	vadd.f32 v4, v6  }
0x6c: {  	v1 =	vadd.f32 v7, v1  }
0x6d: {  	v3 =	vadd.f32 v3, v0;
	v4 =	vadd.f32 v4, v0  }
0x6e: {  	v2 =	vadd.f32 v2, v8;
	v1 =	vadd.f32 v1, v0  }
0x6f: {  	[tilespmem:s3+$0x6100] =	vst v4  }
0x70: {  	v0 =	vadd.f32 v2, v0;
	[tilespmem:s3+$0x6180] =	vst v3  }
0x71: {  	s0 =	sand.u32 $0x70, s2;
	s2 =	sand.u32 $0x1C00, s26;
	[tilespmem:s3+$0x6000] =	vst v1  }
0x72: {  	s14 =	sadd.s32 s2, s29;
	s16 =	sor.u32 s2, s0;
	s31 =	sadd.s32 $0x1800, s2;
	[tilespmem:s3+$0x6080] =	vst v0  }
0x73: {  	s3 =	sadd.s32 s0, s14;
	v1 =	vld [tilespmem:s16+$0xC180]  }
0x74: {  	v2 =	vld [tilespmem:s16+$0xC100]  }
0x75: {  	v0 =	vld [tilespmem:s3+$0x0]  }
0x76: {  	v3 =	vld [tilespmem:s16+$0xC080]  }
0x77: {  	v4 =	vld [tilespmem:s16+$0x180]  }
0x78: {  	v5 =	vld [tilespmem:s16+$0x100]  }
0x79: {  	v6 =	vld [tilespmem:s16+$0xC000]  }
0x7a: {  	v7 =	vld [tilespmem:s16+$0x0]  }
0x7b: {  	v8 =	vld [tilespmem:s16+$0x80]  }
0x7c: {  	v1 =	vadd.f32 v1, v4  }
0x7d: {  	v2 =	vadd.f32 v2, v5;
	_ =	sdelay $0x1  }
0x7e: {  	v1 =	vadd.f32 v1, v0;
	v4 =	vadd.f32 v6, v7  }
0x7f: {  	v2 =	vadd.f32 v2, v0;
	v3 =	vadd.f32 v3, v8  }
0x80: {  	v4 =	vadd.f32 v4, v0;
	[tilespmem:s16+$0x6180] =	vst v1  }
0x81: {  	v1 =	vadd.f32 v3, v0;
	[tilespmem:s16+$0x6100] =	vst v2  }
0x82: {  	s3 =	sor.u32 $0x200, s0;
	[tilespmem:s16+$0x6000] =	vst v4  }
0x83: {  	s2 =	sor.u32 s2, s3;
	[tilespmem:s16+$0x6080] =	vst v1  }
0x84: {  	v1 =	vld [tilespmem:s2+$0xC180]  }
0x85: {  	v2 =	vld [tilespmem:s2+$0x180]  }
0x86: {  	v3 =	vld [tilespmem:s2+$0x100]  }
0x87: {  	v4 =	vld [tilespmem:s2+$0xC100]  }
0x88: {  	v5 =	vld [tilespmem:s2+$0x80]  }
0x89: {  	v6 =	vld [tilespmem:s2+$0xC080]  }
0x8a: {  	v7 =	vld [tilespmem:s2+$0xC000];
	v1 =	vadd.f32 v1, v2  }
0x8b: {  	v2 =	vld [tilespmem:s2+$0x0]  }
0x8c: {  	v3 =	vadd.f32 v4, v3;
	v1 =	vadd.f32 v1, v0;
	_ =	sdelay $0x1  }
0x8d: {  	v4 =	vadd.f32 v6, v5;
	v3 =	vadd.f32 v3, v0;
	[tilespmem:s2+$0x6180] =	vst v1;
	_ =	sdelay $0x1  }
0x8e: {  	v1 =	vadd.f32 v7, v2;
	v2 =	vadd.f32 v4, v0;
	[tilespmem:s2+$0x6100] =	vst v3;
	_ =	sdelay $0x1  }
0x8f: {  	v1 =	vadd.f32 v1, v0;
	[tilespmem:s2+$0x6080] =	vst v2;
	_ =	sdelay $0x1  }
.Ltmp2:
0x90: {  	s0 =	sor.u32 s31, s0;
	[tilespmem:s2+$0x6000] =	vst v1;
	(pc) =	sbr.rel @p1 .LBB2_3-.Ltmp2, $4  }
0x91: {  	v3 =	vld [tilespmem:s0+$0xC180]  }
0x92: {  	v1 =	vld [tilespmem:s0+$0x80]  }
0x93: {  	v2 =	vld [tilespmem:s0+$0xC100]  }
0x94: {  	v4 =	vld [tilespmem:s0+$0x180]  }
0x95: {  	v5 =	vld [tilespmem:s0+$0xC000]  }
0x96: {  	v6 =	vld [tilespmem:s0+$0x0]  }
0x97: {  	v7 =	vld [tilespmem:s0+$0x100]  }
0x98: {  	v8 =	vld [tilespmem:s0+$0xC080];
	_ =	sdelay $0x1  }
0x99: {  	v3 =	vadd.f32 v3, v4  }
0x9a: {  	v4 =	vadd.f32 v5, v6  }
0x9b: {  	v2 =	vadd.f32 v2, v7;
	v3 =	vadd.f32 v3, v0  }
0x9c: {  	v1 =	vadd.f32 v8, v1;
	v4 =	vadd.f32 v4, v0  }
0x9d: {  	v2 =	vadd.f32 v2, v0;
	[tilespmem:s0+$0x6180] =	vst v3  }
0x9e: {  	v1 =	vadd.f32 v1, v0;
	[tilespmem:s0+$0x6000] =	vst v4  }
0x9f: {  	[tilespmem:s0+$0x6100] =	vst v2  }
0xa0: {  	s16 =	sor.u32 s31, s3;
	[tilespmem:s0+$0x6080] =	vst v1  }
0xa1: {  	v1 =	vld [tilespmem:s16+$0x0]  }
0xa2: {  	v2 =	vld [tilespmem:s16+$0xC080]  }
0xa3: {  	v3 =	vld [tilespmem:s16+$0xC180]  }
0xa4: {  	v4 =	vld [tilespmem:s16+$0xC100]  }
0xa5: {  	v5 =	vld [tilespmem:s16+$0x100]  }
0xa6: {  	v6 =	vld [tilespmem:s16+$0x180]  }
0xa7: {  	v7 =	vld [tilespmem:s16+$0xC000]  }
0xa8: {  	v61 =	vld [tilespmem:s16+$0x80];
	_ =	sdelay $0x1  }
0xa9: {  	v4 =	vadd.f32 v4, v5  }
0xaa: {  	v3 =	vadd.f32 v3, v6  }
0xab: {  	s26 =	sshll.u32 s25, $0xA;
	v1 =	vadd.f32 v7, v1;
	v4 =	vadd.f32 v4, v0  }
0xac: {  	s2 =	sor.u32 s4, s26;
	v2 =	vadd.f32 v2, v61;
	v3 =	vadd.f32 v3, v0  }
0xad: {  	p1 =	seq.s32 s25, $0x7;
	s2 =	sshrl.u32 s2, $0x3;
	v1 =	vadd.f32 v1, v0;
	[tilespmem:s16+$0x6100] =	vst v4  }
0xae: {  	s7 =	sor.u32 $0x21, s28;
	s29 =	smul.u32 $0x300, s2;
	s0 =	sadd.s32 @!p1 s10, s26;
	v0 =	vadd.f32 v2, v0;
	[tilespmem:s16+$0x6180] =	vst v3  }
0xaf: {  	s14 =	smulhi.u32 $0x2AAAAAAB, s7;
	s0 =	sshrl.u32 @!p1 s0, $0x3;
	[tilespmem:s16+$0x6000] =	vst v1  }
0xb0: {  	s3 =	sadd.s32 s6, s29;
	s0 =	smul.u32 @!p1 $0x300, s0;
	[tilespmem:s16+$0x6080] =	vst v0  }
0xb1: {  	[hbm4b:s3+s5] =	stream.linear.scatter [tilespmem:s19], [sflag:$0x3], $0x3000, $0x38;
	[tilespmem:$0x12000] =	vst v63  }
0xb2: {  	s14 =	sshrl.u32 s14, $0x1;
	s0 =	sadd.s32 @!p1 s1, s0;
	s3 =	simm.s32 @!p1 $0x0  }
0xb3: {  	[tilespmem:s3], [sflag:$0x1] =	stream.linear.gather @!p1 [hbm4b:s0+s3], $0x3000, $0x38;
	[tilespmem:$0x12000] =	vst v63  }
0xb4: {  	s0 =	smul.u32 $0xC, s14;
	_ =	sdelay $0x1  }
0xb5: {  	s0 =	ssub.s32 s7, s0  }
0xb6: {  	s28 =	simm.s32 $0x0;
	_ =	swait.ge [sflag:s20], $0x3000;
	s16 =	sshrl.u32 s0, $0x3  }
0xb7: {  	s2 =	simm.s32 @!p0 $0x4;
	[sflag:s20] =	ssyncset.done $0x0;
	s3 =	smul.u32 $0x6000, s16  }
0xb8: {  	s14 =	sand.u32 $0x70, s28;
	[sflag:s20] =	ssyncadd.s32 $0xFFFFD000;
	s0 =	sshll.u32 s0, $0x7  }
0xb9: {  	_ =	swait.ge @!p0 [sflag:s2], $0x3000;
	s0 =	sand.u32 $0x380, s0;
	s3 =	sshrl.u32 s3, $0x2  }
0xba: {  	[sflag:s2] =	ssyncset.done @!p0 $0x0;
	s0 =	sor.u32 s0, s3;
	s3 =	sand.u32 $0x1C00, s28  }
0xbb: {  	[sflag:s2] =	ssyncadd.s32 @!p0 $0xFFFFD000;
	s7 =	sor.u32 s3, s14  }
0xbc: {  	v1 =	vld [tilespmem:s7+$0xC180]  }
0xbd: {  	v2 =	vld [tilespmem:s7+$0xC100]  }
0xbe: {  	v3 =	vld [tilespmem:s7+$0xC080]  }
0xbf: {  	v4 =	vld [tilespmem:s7+$0x3180]  }
0xc0: {  	s30 =	sadd.s32 $0xF000, s0;
	v5 =	vld [tilespmem:s7+$0x3100]  }
0xc1: {  	s0 =	sadd.s32 s3, s30;
	v6 =	vld [tilespmem:s7+$0xC000]  }
0xc2: {  	v7 =	vld [tilespmem:s7+$0x3000];
	s0 =	sadd.s32 s14, s0  }
0xc3: {  	v0 =	vld [tilespmem:s0+$0x0]  }
0xc4: {  	v62 =	vld [tilespmem:s7+$0x3080];
	_ =	sdelay $0x1  }
0xc5: {  	v1 =	vadd.f32 v1, v4  }
0xc6: {  	v2 =	vadd.f32 v2, v5  }
0xc7: {  	v4 =	vadd.f32 v6, v7;
	v1 =	vadd.f32 v1, v0  }
0xc8: {  	v3 =	vadd.f32 v3, v62;
	v2 =	vadd.f32 v2, v0  }
0xc9: {  	v4 =	vadd.f32 v4, v0;
	[tilespmem:s7+$0x9180] =	vst v1  }
0xca: {  	v1 =	vadd.f32 v3, v0;
	[tilespmem:s7+$0x9100] =	vst v2  }
0xcb: {  	s0 =	sor.u32 $0x200, s14;
	[tilespmem:s7+$0x9000] =	vst v4  }
0xcc: {  	s16 =	sor.u32 s3, s0;
	[tilespmem:s7+$0x9080] =	vst v1  }
0xcd: {  	v1 =	vld [tilespmem:s16+$0xC180]  }
0xce: {  	v2 =	vld [tilespmem:s16+$0x3180]  }
0xcf: {  	v3 =	vld [tilespmem:s16+$0x3100]  }
0xd0: {  	v4 =	vld [tilespmem:s16+$0xC100]  }
0xd1: {  	v5 =	vld [tilespmem:s16+$0x3080]  }
0xd2: {  	v6 =	vld [tilespmem:s16+$0xC080]  }
0xd3: {  	v7 =	vld [tilespmem:s16+$0xC000]  }
0xd4: {  	v63 =	vld [tilespmem:s16+$0x3000];
	_ =	sdelay $0x1  }
0xd5: {  	v1 =	vadd.f32 v1, v2  }
0xd6: {  	v2 =	vadd.f32 v4, v3  }
0xd7: {  	v3 =	vadd.f32 v6, v5;
	v1 =	vadd.f32 v1, v0  }
0xd8: {  	v4 =	vadd.f32 v7, v63;
	v2 =	vadd.f32 v2, v0  }
0xd9: {  	[tilespmem:s16+$0x9180] =	vst v1;
	v1 =	vadd.f32 v3, v0  }
0xda: {  	[tilespmem:s16+$0x9100] =	vst v2;
	v2 =	vadd.f32 v4, v0  }
0xdb: {  	s3 =	sadd.s32 $0x1800, s3;
	[tilespmem:s16+$0x9080] =	vst v1  }
0xdc: {  	s2 =	sor.u32 s3, s14;
	[tilespmem:s16+$0x9000] =	vst v2  }
0xdd: {  	v3 =	vld [tilespmem:s2+$0xC180]  }
0xde: {  	v1 =	vld [tilespmem:s2+$0x3080]  }
0xdf: {  	v2 =	vld [tilespmem:s2+$0xC100]  }
0xe0: {  	s31 =	simm.s32 $0x10;
	v4 =	vld [tilespmem:s2+$0x3180]  }
.LBB2_5:
0xe1: {  	p0 =	sne.s32 s31, $0x2F0  }
0xe2: {  	v5 =	vld [tilespmem:s2+$0xC000];
	s28 =	sadd.s32 $0x80, s28;
	s14 =	smov.u32 s31;
	s31 =	sadd.s32 $0x10, s31  }
0xe3: {  	v6 =	vld [tilespmem:s2+$0x3000]  }
0xe4: {  	v7 =	vld [tilespmem:s2+$0x3100]  }
0xe5: {  	v8 =	vld [tilespmem:s2+$0xC080]  }
0xe6: {  	v3 =	vadd.f32 v3, v4;
	_ =	sdelay $0x1  }
0xe7: {  	v4 =	vadd.f32 v5, v6;
	v3 =	vadd.f32 v3, v0  }
0xe8: {  	v2 =	vadd.f32 v2, v7  }
0xe9: {  	v4 =	vadd.f32 v4, v0;
	v1 =	vadd.f32 v8, v1;
	[tilespmem:s2+$0x9180] =	vst v3  }
0xea: {  	v2 =	vadd.f32 v2, v0  }
0xeb: {  	[tilespmem:s2+$0x9000] =	vst v4;
	v1 =	vadd.f32 v1, v0  }
0xec: {  	[tilespmem:s2+$0x9100] =	vst v2  }
0xed: {  	s0 =	sor.u32 s3, s0;
	[tilespmem:s2+$0x9080] =	vst v1  }
0xee: {  	v1 =	vld [tilespmem:s0+$0x3000]  }
0xef: {  	v2 =	vld [tilespmem:s0+$0xC080]  }
0xf0: {  	v3 =	vld [tilespmem:s0+$0xC180]  }
0xf1: {  	v4 =	vld [tilespmem:s0+$0xC100]  }
0xf2: {  	v5 =	vld [tilespmem:s0+$0x3180]  }
0xf3: {  	v6 =	vld [tilespmem:s0+$0x3100]  }
0xf4: {  	v7 =	vld [tilespmem:s0+$0xC000]  }
0xf5: {  	v8 =	vld [tilespmem:s0+$0x3080];
	_ =	sdelay $0x1  }
0xf6: {  	v3 =	vadd.f32 v3, v5  }
0xf7: {  	v4 =	vadd.f32 v4, v6  }
0xf8: {  	v1 =	vadd.f32 v7, v1  }
0xf9: {  	v3 =	vadd.f32 v3, v0;
	v4 =	vadd.f32 v4, v0  }
0xfa: {  	v2 =	vadd.f32 v2, v8;
	v1 =	vadd.f32 v1, v0  }
0xfb: {  	[tilespmem:s0+$0x9100] =	vst v4  }
0xfc: {  	v0 =	vadd.f32 v2, v0;
	[tilespmem:s0+$0x9180] =	vst v3  }
0xfd: {  	s2 =	sand.u32 $0x70, s14;
	s14 =	sand.u32 $0x1C00, s28;
	[tilespmem:s0+$0x9000] =	vst v1  }
0xfe: {  	s16 =	sadd.s32 s14, s30;
	s7 =	sor.u32 s14, s2;
	s3 =	sadd.s32 $0x1800, s14;
	[tilespmem:s0+$0x9080] =	vst v0  }
0xff: {  	s0 =	sadd.s32 s2, s16;
	v1 =	vld [tilespmem:s7+$0xC180]  }
0x100: {  	v2 =	vld [tilespmem:s7+$0xC100]  }
0x101: {  	v0 =	vld [tilespmem:s0+$0x0]  }
0x102: {  	v3 =	vld [tilespmem:s7+$0xC080]  }
0x103: {  	v4 =	vld [tilespmem:s7+$0x3180]  }
0x104: {  	v5 =	vld [tilespmem:s7+$0x3100]  }
0x105: {  	v6 =	vld [tilespmem:s7+$0xC000]  }
0x106: {  	v7 =	vld [tilespmem:s7+$0x3000]  }
0x107: {  	v8 =	vld [tilespmem:s7+$0x3080]  }
0x108: {  	v1 =	vadd.f32 v1, v4  }
0x109: {  	v2 =	vadd.f32 v2, v5;
	_ =	sdelay $0x1  }
0x10a: {  	v1 =	vadd.f32 v1, v0;
	v4 =	vadd.f32 v6, v7  }
0x10b: {  	v2 =	vadd.f32 v2, v0;
	v3 =	vadd.f32 v3, v8  }
0x10c: {  	v4 =	vadd.f32 v4, v0;
	[tilespmem:s7+$0x9180] =	vst v1  }
0x10d: {  	v1 =	vadd.f32 v3, v0;
	[tilespmem:s7+$0x9100] =	vst v2  }
0x10e: {  	s0 =	sor.u32 $0x200, s2;
	[tilespmem:s7+$0x9000] =	vst v4  }
0x10f: {  	[tilespmem:s7+$0x9080] =	vst v1;
	s7 =	sor.u32 s14, s0  }
0x110: {  	v1 =	vld [tilespmem:s7+$0xC180]  }
0x111: {  	v2 =	vld [tilespmem:s7+$0x3180]  }
0x112: {  	v3 =	vld [tilespmem:s7+$0x3100]  }
0x113: {  	v4 =	vld [tilespmem:s7+$0xC100]  }
0x114: {  	v5 =	vld [tilespmem:s7+$0x3080]  }
0x115: {  	v6 =	vld [tilespmem:s7+$0xC080]  }
0x116: {  	v7 =	vld [tilespmem:s7+$0xC000];
	v1 =	vadd.f32 v1, v2  }
0x117: {  	v2 =	vld [tilespmem:s7+$0x3000]  }
0x118: {  	v3 =	vadd.f32 v4, v3;
	v1 =	vadd.f32 v1, v0;
	_ =	sdelay $0x1  }
0x119: {  	v4 =	vadd.f32 v6, v5;
	v3 =	vadd.f32 v3, v0;
	[tilespmem:s7+$0x9180] =	vst v1;
	_ =	sdelay $0x1  }
0x11a: {  	v1 =	vadd.f32 v7, v2;
	v2 =	vadd.f32 v4, v0;
	[tilespmem:s7+$0x9100] =	vst v3;
	_ =	sdelay $0x1  }
0x11b: {  	v1 =	vadd.f32 v1, v0;
	[tilespmem:s7+$0x9080] =	vst v2;
	_ =	sdelay $0x1  }
.Ltmp3:
0x11c: {  	s2 =	sor.u32 s3, s2;
	[tilespmem:s7+$0x9000] =	vst v1;
	(pc) =	sbr.rel @p0 .LBB2_5-.Ltmp3, $4  }
0x11d: {  	v3 =	vld [tilespmem:s2+$0xC180]  }
0x11e: {  	v1 =	vld [tilespmem:s2+$0x3080]  }
0x11f: {  	v2 =	vld [tilespmem:s2+$0xC100]  }
0x120: {  	v4 =	vld [tilespmem:s2+$0x3180]  }
0x121: {  	v5 =	vld [tilespmem:s2+$0xC000]  }
0x122: {  	v6 =	vld [tilespmem:s2+$0x3000]  }
0x123: {  	v7 =	vld [tilespmem:s2+$0x3100]  }
0x124: {  	v8 =	vld [tilespmem:s2+$0xC080];
	_ =	sdelay $0x1  }
0x125: {  	v3 =	vadd.f32 v3, v4  }
0x126: {  	v58 =	vadd.f32 v5, v6  }
0x127: {  	v2 =	vadd.f32 v2, v7;
	v3 =	vadd.f32 v3, v0  }
0x128: {  	v1 =	vadd.f32 v8, v1;
	v4 =	vadd.f32 v58, v0  }
0x129: {  	v2 =	vadd.f32 v2, v0;
	[tilespmem:s2+$0x9180] =	vst v3  }
0x12a: {  	v1 =	vadd.f32 v1, v0;
	[tilespmem:s2+$0x9000] =	vst v4  }
0x12b: {  	[tilespmem:s2+$0x9100] =	vst v2  }
0x12c: {  	s0 =	sor.u32 s3, s0;
	[tilespmem:s2+$0x9080] =	vst v1  }
0x12d: {  	v1 =	vld [tilespmem:s0+$0x3000]  }
0x12e: {  	v2 =	vld [tilespmem:s0+$0xC080]  }
0x12f: {  	v3 =	vld [tilespmem:s0+$0xC180]  }
0x130: {  	v4 =	vld [tilespmem:s0+$0xC100]  }
0x131: {  	v59 =	vld [tilespmem:s0+$0x3100]  }
0x132: {  	v60 =	vld [tilespmem:s0+$0x3180]  }
0x133: {  	v61 =	vld [tilespmem:s0+$0xC000]  }
0x134: {  	v62 =	vld [tilespmem:s0+$0x3080];
	_ =	sdelay $0x1  }
0x135: {  	v4 =	vadd.f32 v4, v59  }
0x136: {  	v3 =	vadd.f32 v3, v60  }
0x137: {  	v1 =	vadd.f32 v61, v1;
	v4 =	vadd.f32 v4, v0  }
0x138: {  	v2 =	vadd.f32 v2, v62;
	v3 =	vadd.f32 v3, v0  }
.Ltmp4:
0x139: {  	v1 =	vadd.f32 v1, v0;
	[tilespmem:s0+$0x9100] =	vst v4;
	(pc) =	sbr.rel @p1 .LBB2_8-.Ltmp4, $4  }
0x13a: {  	v63 =	vadd.f32 v2, v0;
	[tilespmem:s0+$0x9180] =	vst v3  }
0x13b: {  	[tilespmem:s0+$0x9000] =	vst v1  }
0x13c: {  	s31 =	sadd.s32 s29, s12;
	[tilespmem:s0+$0x9080] =	vst v63  }
0x13d: {  	[hbm4b:s31+s5] =	stream.linear.scatter [tilespmem:s21], [sflag:$0x4], $0x3000, $0x38;
	[tilespmem:$0x12000] =	vst v63  }
0x13e: {  	s0 =	sadd.s32 s11, s26  }
.Ltmp5:
0x13f: {  	s0 =	sshrl.u32 s0, $0x3;
	(pc) =	sbr.rel .LBB2_2-.Ltmp5, $3  }
0x140: {  	s0 =	smul.u32 $0x300, s0;
	_ =	sdelay $0x1  }
0x141: {  	s25 =	sadd.s32 $0x1, s25;
	s0 =	sadd.s32 s1, s0  }
0x142: {  	[tilespmem:s17], [sflag:$0x2] =	stream.linear.gather [hbm4b:s0+s5], $0x3000, $0x38;
	[tilespmem:$0x12000] =	vst v63  }
.LBB2_9:
0x143: {  	_ =	sfence.sel $0x180000  }
0x144: {  	[bflag:$0x0] =	sbarrier.arrive $0xFFFF  }
0x145: {  	_ =	strace $0x90000047  }
0x146: {  	s0 =	stileid.u32;
	[bflag:$0x2] =	sbarrier.arrive $0xFFFF  }
0x147: {  	p0 =	sne.s32 s0, $0x0;
	s0 =	rddreg [dreg:$0x4]  }
0x148: {  	s0 =	sadd.s32 @!p0 $0x100000, s0  }
0x149: {  	[sflag:s0] =	ssyncadd.tile.s32 @!p0 $0x1;
	_ =	shalt  }
.Lfunc_end2:
_tile_overlayer_lowered:
.L_overlay_start_2:
0x14a: {  	(tag) =	ssettag $0x2  }
0x14b: {  	s0 =	rddreg [dreg:$0x0];
	s2 =	stileid.u32  }
0x14c: {  	s1 =	rddreg [dreg:$0x1];
	p0 =	sne.s32 s2, $0x0  }
0x14d: {  	s3 =	rddreg [dreg:$0x2];
	[bflag:$0x3] =	sbarrier.arrive $0xFFFF;
	s2 =	simm.s32 @!p0 $0x1C05  }
0x14e: {  	[timem:s3], [sflag:s2] =	dma.local @!p0 [hbm:s0], s1  }
0x14f: {  	s0 =	simm.s32 @!p0 $0x5  }
0x150: {  	_ =	swait.ge @!p0 [sflag:s0], s1  }
0x151: {  	s1 =	ssub.s32 @!p0 $0x0, s1;
	[sflag:s0] =	ssyncset.done @!p0 $0x0  }
0x152: {  	[sflag:s0] =	ssyncadd.s32 @!p0 s1  }
0x153: {  	[bflag:$0x3] =	sbarrier.arrive $0xFFFF  }
0x154: {  	_ =	shalt  }

</sc_bundles>
